<compile_context>
chip_gen: v7x
topology: tpu7x:2x2x1
jax: 0.10.2.dev20260603
libtpu: 0.0.44.dev20260713+nightly
codegen_flags: <defaults>
</compile_context>

<pallas_src>
import functools

import jax
import jax.numpy as jnp
from jax import lax
from jax.experimental import pallas as pl
from jax.experimental.pallas import tpu as pltpu
from jax.experimental.pallas import tpu_sc as plsc

B = 16384
D = 2048
T = 288
S = 3
ATR_MULTIPLE = 3.0
MIN_IMP = 0.1

DT = D * T

NC = 2
NS = 16
L = 16
NW = NC * NS
BPW = B // NW

_mesh = plsc.VectorSubcoreMesh(
    core_axis_name="c", subcore_axis_name="s", num_cores=NC, num_subcores=NS)


@functools.partial(
    pl.kernel,
    mesh=_mesh,
    out_type=jax.ShapeDtypeStruct((B,), jnp.float32),
    scratch_types=[
        pltpu.VMEM((BPW,), jnp.int32),
        pltpu.VMEM((BPW,), jnp.int32),
        pltpu.VMEM((BPW,), jnp.int32),
        pltpu.VMEM((BPW,), jnp.int32),
        pltpu.VMEM((BPW,), jnp.int32),
        pltpu.VMEM((BPW,), jnp.int32),
        pltpu.VMEM((BPW,), jnp.float32),
        pltpu.VMEM((BPW,), jnp.float32),
        pltpu.VMEM((BPW,), jnp.float32),
        pltpu.VMEM((3 * BPW,), jnp.int32),
        pltpu.VMEM((3 * BPW,), jnp.float32),
        pltpu.VMEM((3 * BPW,), jnp.float32),
        pltpu.VMEM((BPW,), jnp.float32),
        pltpu.SemaphoreType.DMA,
        pltpu.SemaphoreType.DMA,
    ],
)
def _sc_stop_loss(di_h, ti_h, edi_h, eti_h, pos_h, ms_h, ep_h, psl_h, bp_h,
                  atr_h, close_h, out_h,
                  di_v, ti_v, edi_v, eti_v, pos_v, ms_v, ep_v, psl_v, bp_v,
                  idx_v, ga_v, gc_v, out_v, sem_in, sem):
    wid = lax.axis_index("s") * NC + lax.axis_index("c")
    base = wid * BPW
    sl_in = pl.ds(base, BPW)
    cp_di = pltpu.async_copy(di_h.at[sl_in], di_v, sem_in)
    cp_ti = pltpu.async_copy(ti_h.at[sl_in], ti_v, sem_in)
    in_cps = [
        pltpu.async_copy(edi_h.at[sl_in], edi_v, sem_in),
        pltpu.async_copy(eti_h.at[sl_in], eti_v, sem_in),
        pltpu.async_copy(pos_h.at[sl_in], pos_v, sem_in),
        pltpu.async_copy(ms_h.at[sl_in], ms_v, sem_in),
        pltpu.async_copy(ep_h.at[sl_in], ep_v, sem_in),
        pltpu.async_copy(psl_h.at[sl_in], psl_v, sem_in),
        pltpu.async_copy(bp_h.at[sl_in], bp_v, sem_in),
    ]
    cp_di.wait()
    cp_ti.wait()

    def tiled_ix_t(t):
        return ((t >> 3) << 14) + ((t & 7) << 7)

    @plsc.parallel_loop(0, BPW, L)
    def idx_body(e):
        cs = pl.ds(e, L)
        di = di_v[cs]
        ti = ti_v[cs]
        drow = ((di >> 7) << 10) + (di & 127)
        idx_v[pl.ds(0 * BPW + e, L)] = tiled_ix_t(ti) + drow
        idx_v[pl.ds(1 * BPW + e, L)] = DT + tiled_ix_t(ti >> 2) + drow
        idx_v[pl.ds(2 * BPW + e, L)] = 2 * DT + tiled_ix_t(ti >> 4) + drow

    cp_a = pltpu.async_copy(atr_h.at[idx_v], ga_v, sem)
    cp_c = pltpu.async_copy(close_h.at[idx_v], gc_v, sem)
    for cp in in_cps:
        cp.wait()
    cp_a.wait()
    cp_c.wait()

    @plsc.parallel_loop(0, BPW, L)
    def compute_body(e):
        cs = pl.ds(e, L)
        di = di_v[cs]
        ti = ti_v[cs]
        edi = edi_v[cs]
        eti = eti_v[cs]
        pos = pos_v[cs]
        ms = ms_v[cs]
        ep = ep_v[cs]
        psl = psl_v[cs]
        bp = bp_v[cs]

        a0 = ga_v[pl.ds(0 * BPW + e, L)]
        c0 = gc_v[pl.ds(0 * BPW + e, L)]
        a1 = ga_v[pl.ds(1 * BPW + e, L)]
        c1 = gc_v[pl.ds(1 * BPW + e, L)]
        a2 = ga_v[pl.ds(2 * BPW + e, L)]
        c2 = gc_v[pl.ds(2 * BPW + e, L)]

        has_pos = pos != 0
        bp_bits = lax.bitcast_convert_type(bp, jnp.int32)
        is_nan = (bp_bits & jnp.int32(0x7FFFFFFF)) > jnp.int32(0x7F800000)
        bp = jnp.where(is_nan & has_pos, ep, bp)
        cti1 = ti >> 2
        cti2 = ti >> 4
        ceti1 = eti >> 2
        ceti2 = eti >> 4

        tc1 = (edi >= 1) & ((di > edi) | ((di == edi) & (cti1 > ceti1)))
        stop0 = jnp.where(pos > 0, c0 - ATR_MULTIPLE * a0,
                          jnp.where(pos < 0, c0 + ATR_MULTIPLE * a0, psl))
        improve = ((ms == 0) & has_pos
                   & (((pos > 0) & (stop0 > ep)) | ((pos < 0) & (stop0 < ep))) & tc1)
        sl = jnp.where(improve, stop0, psl)
        stg = jnp.where(improve, 1, ms)

        m1 = (stg == 1) & has_pos
        pos1 = jnp.where(m1, pos, 0)
        ps1 = jnp.where(pos1 > 0, c1 - ATR_MULTIPLE * a1,
                        jnp.where(pos1 < 0, c1 + ATR_MULTIPLE * a1, sl))
        impv = jnp.where(pos > 0, ps1 - sl, sl - ps1)
        mimp = MIN_IMP * jnp.abs(bp - sl)
        tc2 = (edi >= 2) & ((di > edi) | ((di == edi) & (cti2 > ceti2)))
        im1 = m1 & (impv > mimp) & tc2
        sl = jnp.where(im1, ps1, sl)
        stg = jnp.where(im1, 2, stg)

        m2 = (stg == 2) & has_pos
        pos2 = jnp.where(m2, pos, 0)
        ps2 = jnp.where(pos2 > 0, c2 - ATR_MULTIPLE * a2,
                        jnp.where(pos2 < 0, c2 + ATR_MULTIPLE * a2, sl))
        impv = jnp.where(pos > 0, ps2 - sl, sl - ps2)
        mimp = MIN_IMP * jnp.abs(bp - sl)
        im2 = m2 & (impv > mimp)
        sl = jnp.where(im2, ps2, sl)

        out_v[cs] = sl

    pltpu.sync_copy(out_v, out_h.at[sl_in])


def kernel(date_idx, time_idx, entry_price, prev_stop_loss, position, base_price,
           maint_stage, entry_date_idx, entry_time_idx, conv_date_idx,
           conv_time_idx, atr, close):
    del conv_date_idx, conv_time_idx

    def phys_flat(x):
        return (x.transpose(0, 2, 1).reshape(S, T // 8, 8, D // 128, 128)
                .transpose(0, 1, 3, 2, 4).reshape(-1))

    stop_loss = _sc_stop_loss(
        date_idx.astype(jnp.int32), time_idx.astype(jnp.int32),
        entry_date_idx.astype(jnp.int32), entry_time_idx.astype(jnp.int32),
        position.astype(jnp.int32), maint_stage.astype(jnp.int32),
        entry_price, prev_stop_loss, base_price,
        phys_flat(atr), phys_flat(close))
    action = jnp.zeros((B,), dtype=jnp.int32)
    return (action, stop_loss)

# --- scband reference (transcript-rebuilt; emitter-appended) ---
"""Pipeline reference for scband-scaled-artr-maintenance-policy-4552665334049 (READ-ONLY COPY).

The authoritative reference and input builder live on the scoring server;
editing this copy changes nothing except your own understanding.
"""

import jax, jax.numpy as jnp
import numpy as np

B = 16384
D = 2048
T = 288
S = 3
ATR_MULTIPLE = 3.0
MIN_IMP = 0.1


def _artr_stop(atr_s, close_s, di, ti, position, prev_stop):
    # ArtrStopLossPolicy: ATR-trailing stop at the given (date, time) location.
    valid = (di >= 0) & (ti >= 0)
    dic = jnp.clip(di, 0, D - 1)
    tic = jnp.clip(ti, 0, T - 1)
    a = atr_s[dic, tic]
    c = close_s[dic, tic]
    stop = jnp.where(position > 0, c - ATR_MULTIPLE * a,
                     jnp.where(position < 0, c + ATR_MULTIPLE * a, prev_stop))
    return jnp.where(valid, stop, prev_stop)


def setup_inputs(seed: int = 0):
    key = jax.random.key(seed)
    ks = jax.random.split(key, 12)
    date_idx = jax.random.randint(ks[0], (B,), 8, D)
    time_idx = jax.random.randint(ks[1], (B,), 0, T)
    entry_date_idx = jnp.maximum(date_idx - jax.random.randint(ks[2], (B,), 0, 8), 0)
    entry_time_idx = jax.random.randint(ks[3], (B,), 0, T)
    entry_price = jax.random.uniform(ks[4], (B,), minval=50.0, maxval=150.0)
    prev_stop_loss = entry_price + jax.random.normal(ks[5], (B,)) * 2.0
    position = jax.random.randint(ks[6], (B,), -1, 2).astype(jnp.int32)
    base_price = jnp.where(jax.random.uniform(ks[7], (B,)) < 0.3, jnp.nan,
                           entry_price + jax.random.normal(ks[8], (B,)))
    maint_stage = jax.random.randint(ks[9], (B,), 0, S).astype(jnp.int32)
    dgrid = jnp.broadcast_to(jnp.arange(D, dtype=jnp.int64)[:, None], (D, T))
    tgrid = jnp.broadcast_to(jnp.arange(T, dtype=jnp.int64)[None, :], (D, T))
    conv_date_idx = jnp.stack([jnp.where(dgrid < s, -1, dgrid) for s in range(S)])
    conv_time_idx = jnp.stack([jnp.where(dgrid < s, -1, tgrid // (4 ** s)) for s in range(S)])
    atr = jax.random.uniform(ks[10], (S, D, T), minval=0.5, maxval=2.0)
    close = jax.random.uniform(ks[11], (S, D, T), minval=50.0, maxval=150.0)
    return {"date_idx": date_idx, "time_idx": time_idx, "entry_price": entry_price,
            "prev_stop_loss": prev_stop_loss, "position": position, "base_price": base_price,
            "maint_stage": maint_stage, "entry_date_idx": entry_date_idx,
            "entry_time_idx": entry_time_idx, "conv_date_idx": conv_date_idx,
            "conv_time_idx": conv_time_idx, "atr": atr, "close": close}


def reference(date_idx, time_idx, entry_price, prev_stop_loss, position, base_price,
              maint_stage, entry_date_idx, entry_time_idx, conv_date_idx, conv_time_idx,
              atr, close):
    action = jnp.zeros((B,), dtype=jnp.int32)
    stop_loss = prev_stop_loss
    stage = maint_stage
    has_pos = position != 0
    nan_base = jnp.isnan(base_price) & has_pos
    # wait_for_breakeven = True branch
    base_price = jnp.where(nan_base, entry_price, base_price)
    stage0_mask = (stage == 0) & has_pos
    cedi = conv_date_idx[:, entry_date_idx, entry_time_idx]  # [S, B]
    ceti = conv_time_idx[:, entry_date_idx, entry_time_idx]
    cdi = conv_date_idx[:, date_idx, time_idx]
    cti = conv_time_idx[:, date_idx, time_idx]
    time_condition = (cedi[1] >= 0) & ((cdi[1] > cedi[1]) | ((cdi[1] == cedi[1]) & (cti[1] > ceti[1])))
    potential_stop = _artr_stop(atr[0], close[0], date_idx, time_idx, position, stop_loss)
    improve = stage0_mask & (((position > 0) & (potential_stop > entry_price)) |
                             ((position < 0) & (potential_stop < entry_price)))
    improve = improve & time_condition
    stop_loss = jnp.where(improve, potential_stop, stop_loss)
    stage = jnp.where(improve, 1, stage)
    for s in range(1, S):
        stage_mask = (stage == s) & has_pos
        pos_s = position * stage_mask.astype(position.dtype)
        potential_stop = _artr_stop(atr[s], close[s], cdi[s], cti[s], pos_s, stop_loss)
        improvement = jnp.where(position > 0, potential_stop - stop_loss, stop_loss - potential_stop)
        min_imp = MIN_IMP * jnp.abs(base_price - stop_loss)
        imp_mask = stage_mask & (improvement > min_imp) & (cdi[s] >= 0)
        if s < S - 1:
            tc = (cedi[s + 1] >= 0) & ((cdi[s + 1] > cedi[s + 1]) |
                                       ((cdi[s + 1] == cedi[s + 1]) & (cti[s + 1] > ceti[s + 1])))
            imp_mask = imp_mask & tc
        stop_loss = jnp.where(imp_mask, potential_stop, stop_loss)
        if s < S - 1:
            stage = jnp.where(imp_mask, s + 1, stage)
    return (action, stop_loss)

if __name__ == "__main__":
    import jax
    _d = setup_inputs()
    print(jax.jit(kernel)(*tuple(_d.values())))

</pallas_src>

<mosaic_0001>
#map = affine_map<(d0, d1) -> (0)>
module attributes {stable_mosaic.version = 14 : i64} {
  func.func @_sc_stop_loss(%arg0: i32, %arg1: i32, %arg2: memref<16384xi32, #tpu.memory_space<hbm>>, %arg3: memref<16384xi32, #tpu.memory_space<hbm>>, %arg4: memref<16384xi32, #tpu.memory_space<hbm>>, %arg5: memref<16384xi32, #tpu.memory_space<hbm>>, %arg6: memref<16384xi32, #tpu.memory_space<hbm>>, %arg7: memref<16384xi32, #tpu.memory_space<hbm>>, %arg8: memref<16384xf32, #tpu.memory_space<hbm>>, %arg9: memref<16384xf32, #tpu.memory_space<hbm>>, %arg10: memref<16384xf32, #tpu.memory_space<hbm>>, %arg11: memref<1769472xf32, #tpu.memory_space<hbm>>, %arg12: memref<1769472xf32, #tpu.memory_space<hbm>>, %arg13: memref<16384xf32, #tpu.memory_space<hbm>>, %arg14: memref<512xi32, #tpu.memory_space<vmem>>, %arg15: memref<512xi32, #tpu.memory_space<vmem>>, %arg16: memref<512xi32, #tpu.memory_space<vmem>>, %arg17: memref<512xi32, #tpu.memory_space<vmem>>, %arg18: memref<512xi32, #tpu.memory_space<vmem>>, %arg19: memref<512xi32, #tpu.memory_space<vmem>>, %arg20: memref<512xf32, #tpu.memory_space<vmem>>, %arg21: memref<512xf32, #tpu.memory_space<vmem>>, %arg22: memref<512xf32, #tpu.memory_space<vmem>>, %arg23: memref<1536xi32, #tpu.memory_space<vmem>>, %arg24: memref<1536xf32, #tpu.memory_space<vmem>>, %arg25: memref<1536xf32, #tpu.memory_space<vmem>>, %arg26: memref<512xf32, #tpu.memory_space<vmem>>, %arg27: memref<!tpu.dma_semaphore, #tpu.memory_space<semaphore_mem>>, %arg28: memref<!tpu.dma_semaphore, #tpu.memory_space<semaphore_mem>>) attributes {dimension_semantics = [#tpu.dimension_semantics<core_parallel>, #tpu.dimension_semantics<subcore_parallel>], iteration_bounds = array<i64: 2, 16>, scalar_prefetch = 0 : i64, scratch_operands = 15 : i64, tpu.core_type = #tpu.core_type<sc_vector_subcore>, window_params = [{transform_indices = #map}, {transform_indices = #map}, {transform_indices = #map}, {transform_indices = #map}, {transform_indices = #map}, {transform_indices = #map}, {transform_indices = #map}, {transform_indices = #map}, {transform_indices = #map}, {transform_indices = #map}, {transform_indices = #map}, {transform_indices = #map}]} {
    %mul3A = arith.constant 2 : i32
    %mul3A_0 = arith.muli %arg1, %mul3A : i32
    %add3A = arith.addi %mul3A_0, %arg0 : i32
    %mul3A_1 = arith.constant 512 : i32
    %mul3A_2 = arith.muli %add3A, %mul3A_1 : i32
    %dma_start3A = tpu.memref_slice %arg2[%mul3A_2] : memref<16384xi32, #tpu.memory_space<hbm>> -> memref<512xi32, #tpu.memory_space<hbm>>
    %dma_start3A_3 = tpu.memref_slice %arg2[%mul3A_2] : memref<16384xi32, #tpu.memory_space<hbm>> -> memref<512xi32, #tpu.memory_space<hbm>>
    tpu.enqueue_dma source(%dma_start3A_3 : memref<512xi32, #tpu.memory_space<hbm>>) target(%arg14 : memref<512xi32, #tpu.memory_space<vmem>>) target_semaphore(%arg27 : memref<!tpu.dma_semaphore, #tpu.memory_space<semaphore_mem>>)
    %dma_start3A_4 = tpu.memref_slice %arg3[%mul3A_2] : memref<16384xi32, #tpu.memory_space<hbm>> -> memref<512xi32, #tpu.memory_space<hbm>>
    %dma_start3A_5 = tpu.memref_slice %arg3[%mul3A_2] : memref<16384xi32, #tpu.memory_space<hbm>> -> memref<512xi32, #tpu.memory_space<hbm>>
    tpu.enqueue_dma source(%dma_start3A_5 : memref<512xi32, #tpu.memory_space<hbm>>) target(%arg15 : memref<512xi32, #tpu.memory_space<vmem>>) target_semaphore(%arg27 : memref<!tpu.dma_semaphore, #tpu.memory_space<semaphore_mem>>)
    %dma_start3A_6 = tpu.memref_slice %arg4[%mul3A_2] : memref<16384xi32, #tpu.memory_space<hbm>> -> memref<512xi32, #tpu.memory_space<hbm>>
    %dma_start3A_7 = tpu.memref_slice %arg4[%mul3A_2] : memref<16384xi32, #tpu.memory_space<hbm>> -> memref<512xi32, #tpu.memory_space<hbm>>
    tpu.enqueue_dma source(%dma_start3A_7 : memref<512xi32, #tpu.memory_space<hbm>>) target(%arg16 : memref<512xi32, #tpu.memory_space<vmem>>) target_semaphore(%arg27 : memref<!tpu.dma_semaphore, #tpu.memory_space<semaphore_mem>>)
    %dma_start3A_8 = tpu.memref_slice %arg5[%mul3A_2] : memref<16384xi32, #tpu.memory_space<hbm>> -> memref<512xi32, #tpu.memory_space<hbm>>
    %dma_start3A_9 = tpu.memref_slice %arg5[%mul3A_2] : memref<16384xi32, #tpu.memory_space<hbm>> -> memref<512xi32, #tpu.memory_space<hbm>>
    tpu.enqueue_dma source(%dma_start3A_9 : memref<512xi32, #tpu.memory_space<hbm>>) target(%arg17 : memref<512xi32, #tpu.memory_space<vmem>>) target_semaphore(%arg27 : memref<!tpu.dma_semaphore, #tpu.memory_space<semaphore_mem>>)
    %dma_start3A_10 = tpu.memref_slice %arg6[%mul3A_2] : memref<16384xi32, #tpu.memory_space<hbm>> -> memref<512xi32, #tpu.memory_space<hbm>>
    %dma_start3A_11 = tpu.memref_slice %arg6[%mul3A_2] : memref<16384xi32, #tpu.memory_space<hbm>> -> memref<512xi32, #tpu.memory_space<hbm>>
    tpu.enqueue_dma source(%dma_start3A_11 : memref<512xi32, #tpu.memory_space<hbm>>) target(%arg18 : memref<512xi32, #tpu.memory_space<vmem>>) target_semaphore(%arg27 : memref<!tpu.dma_semaphore, #tpu.memory_space<semaphore_mem>>)
    %dma_start3A_12 = tpu.memref_slice %arg7[%mul3A_2] : memref<16384xi32, #tpu.memory_space<hbm>> -> memref<512xi32, #tpu.memory_space<hbm>>
    %dma_start3A_13 = tpu.memref_slice %arg7[%mul3A_2] : memref<16384xi32, #tpu.memory_space<hbm>> -> memref<512xi32, #tpu.memory_space<hbm>>
    tpu.enqueue_dma source(%dma_start3A_13 : memref<512xi32, #tpu.memory_space<hbm>>) target(%arg19 : memref<512xi32, #tpu.memory_space<vmem>>) target_semaphore(%arg27 : memref<!tpu.dma_semaphore, #tpu.memory_space<semaphore_mem>>)
    %dma_start3A_14 = tpu.memref_slice %arg8[%mul3A_2] : memref<16384xf32, #tpu.memory_space<hbm>> -> memref<512xf32, #tpu.memory_space<hbm>>
    %dma_start3A_15 = tpu.memref_slice %arg8[%mul3A_2] : memref<16384xf32, #tpu.memory_space<hbm>> -> memref<512xf32, #tpu.memory_space<hbm>>
    tpu.enqueue_dma source(%dma_start3A_15 : memref<512xf32, #tpu.memory_space<hbm>>) target(%arg20 : memref<512xf32, #tpu.memory_space<vmem>>) target_semaphore(%arg27 : memref<!tpu.dma_semaphore, #tpu.memory_space<semaphore_mem>>)
    %dma_start3A_16 = tpu.memref_slice %arg9[%mul3A_2] : memref<16384xf32, #tpu.memory_space<hbm>> -> memref<512xf32, #tpu.memory_space<hbm>>
    %dma_start3A_17 = tpu.memref_slice %arg9[%mul3A_2] : memref<16384xf32, #tpu.memory_space<hbm>> -> memref<512xf32, #tpu.memory_space<hbm>>
    tpu.enqueue_dma source(%dma_start3A_17 : memref<512xf32, #tpu.memory_space<hbm>>) target(%arg21 : memref<512xf32, #tpu.memory_space<vmem>>) target_semaphore(%arg27 : memref<!tpu.dma_semaphore, #tpu.memory_space<semaphore_mem>>)
    %dma_start3A_18 = tpu.memref_slice %arg10[%mul3A_2] : memref<16384xf32, #tpu.memory_space<hbm>> -> memref<512xf32, #tpu.memory_space<hbm>>
    %dma_start3A_19 = tpu.memref_slice %arg10[%mul3A_2] : memref<16384xf32, #tpu.memory_space<hbm>> -> memref<512xf32, #tpu.memory_space<hbm>>
    tpu.enqueue_dma source(%dma_start3A_19 : memref<512xf32, #tpu.memory_space<hbm>>) target(%arg22 : memref<512xf32, #tpu.memory_space<vmem>>) target_semaphore(%arg27 : memref<!tpu.dma_semaphore, #tpu.memory_space<semaphore_mem>>)
    %dma_wait3A = tpu.memref_slice %arg2[%mul3A_2] : memref<16384xi32, #tpu.memory_space<hbm>> -> memref<512xi32, #tpu.memory_space<hbm>>
    %dma_wait3A_20 = tpu.memref_slice %arg2[%mul3A_2] : memref<16384xi32, #tpu.memory_space<hbm>> -> memref<512xi32, #tpu.memory_space<hbm>>
    tpu.wait_dma2 semaphore(%arg27 : memref<!tpu.dma_semaphore, #tpu.memory_space<semaphore_mem>>) src(%dma_wait3A_20 : memref<512xi32, #tpu.memory_space<hbm>>) dst(%arg14 : memref<512xi32, #tpu.memory_space<vmem>>)
    %dma_wait3A_21 = tpu.memref_slice %arg3[%mul3A_2] : memref<16384xi32, #tpu.memory_space<hbm>> -> memref<512xi32, #tpu.memory_space<hbm>>
    %dma_wait3A_22 = tpu.memref_slice %arg3[%mul3A_2] : memref<16384xi32, #tpu.memory_space<hbm>> -> memref<512xi32, #tpu.memory_space<hbm>>
    tpu.wait_dma2 semaphore(%arg27 : memref<!tpu.dma_semaphore, #tpu.memory_space<semaphore_mem>>) src(%dma_wait3A_22 : memref<512xi32, #tpu.memory_space<hbm>>) dst(%arg15 : memref<512xi32, #tpu.memory_space<vmem>>)
    %parallel_loop3A = arith.constant 0 : i32
    %parallel_loop3A_23 = arith.constant 512 : i32
    %parallel_loop3A_24 = arith.constant 16 : i32
    scf.for %parallel_loop3A_50 = %parallel_loop3A to %parallel_loop3A_23 step %parallel_loop3A_24  : i32 {
      %parallel_loop3A_51 = arith.index_cast %parallel_loop3A_50 : i32 to index
      %parallel_loop3A_52 = tpu.vector_load %arg14[%parallel_loop3A_51] {strides = array<i32>} : memref<512xi32, #tpu.memory_space<vmem>>, vector<16xi32>,
      %parallel_loop3A_53 = vector.shape_cast %parallel_loop3A_52 : vector<16xi32> to vector<16xi32>
      %parallel_loop3A_54 = arith.index_cast %parallel_loop3A_50 : i32 to index
      %parallel_loop3A_55 = tpu.vector_load %arg15[%parallel_loop3A_54] {strides = array<i32>} : memref<512xi32, #tpu.memory_space<vmem>>, vector<16xi32>,
      %parallel_loop3A_56 = vector.shape_cast %parallel_loop3A_55 : vector<16xi32> to vector<16xi32>
      %parallel_loop3A_57 = arith.constant 7 : i32
      %parallel_loop3A_58 = vector.broadcast %parallel_loop3A_57 : i32 to vector<16xi32>
      %parallel_loop3A_59 = arith.shrsi %parallel_loop3A_53, %parallel_loop3A_58 : vector<16xi32>
      %parallel_loop3A_60 = arith.constant 10 : i32
      %parallel_loop3A_61 = vector.broadcast %parallel_loop3A_60 : i32 to vector<16xi32>
      %parallel_loop3A_62 = arith.shli %parallel_loop3A_59, %parallel_loop3A_61 : vector<16xi32>
      %parallel_loop3A_63 = arith.constant 127 : i32
      %parallel_loop3A_64 = vector.broadcast %parallel_loop3A_63 : i32 to vector<16xi32>
      %parallel_loop3A_65 = arith.andi %parallel_loop3A_53, %parallel_loop3A_64 : vector<16xi32>
      %parallel_loop3A_66 = arith.addi %parallel_loop3A_62, %parallel_loop3A_65 : vector<16xi32>
      %parallel_loop3A_67 = arith.constant 3 : i32
      %parallel_loop3A_68 = vector.broadcast %parallel_loop3A_67 : i32 to vector<16xi32>
      %parallel_loop3A_69 = arith.shrsi %parallel_loop3A_56, %parallel_loop3A_68 : vector<16xi32>
      %parallel_loop3A_70 = arith.constant 14 : i32
      %parallel_loop3A_71 = vector.broadcast %parallel_loop3A_70 : i32 to vector<16xi32>
      %parallel_loop3A_72 = arith.shli %parallel_loop3A_69, %parallel_loop3A_71 : vector<16xi32>
      %parallel_loop3A_73 = arith.constant 7 : i32
      %parallel_loop3A_74 = vector.broadcast %parallel_loop3A_73 : i32 to vector<16xi32>
      %parallel_loop3A_75 = arith.andi %parallel_loop3A_56, %parallel_loop3A_74 : vector<16xi32>
      %parallel_loop3A_76 = arith.constant 7 : i32
      %parallel_loop3A_77 = vector.broadcast %parallel_loop3A_76 : i32 to vector<16xi32>
      %parallel_loop3A_78 = arith.shli %parallel_loop3A_75, %parallel_loop3A_77 : vector<16xi32>
      %parallel_loop3A_79 = arith.addi %parallel_loop3A_72, %parallel_loop3A_78 : vector<16xi32>
      %parallel_loop3A_80 = arith.addi %parallel_loop3A_79, %parallel_loop3A_66 : vector<16xi32>
      %parallel_loop3A_81 = arith.constant 0 : i32
      %parallel_loop3A_82 = arith.addi %parallel_loop3A_81, %parallel_loop3A_50 : i32
      %parallel_loop3A_83 = arith.index_cast %parallel_loop3A_82 : i32 to index
      %parallel_loop3A_84 = tpu.vector_load %arg23[%parallel_loop3A_83] {strides = array<i32>} : memref<1536xi32, #tpu.memory_space<vmem>>, vector<16xi32>,
      %parallel_loop3A_85 = vector.shape_cast %parallel_loop3A_84 : vector<16xi32> to vector<16xi32>
      %parallel_loop3A_86 = vector.shape_cast %parallel_loop3A_80 : vector<16xi32> to vector<16xi32>
      tpu.vector_store %arg23[%parallel_loop3A_83], %parallel_loop3A_86 {strides = array<i32>} : memref<1536xi32, #tpu.memory_space<vmem>>, vector<16xi32>,
      %parallel_loop3A_87 = arith.constant 2 : i32
      %parallel_loop3A_88 = vector.broadcast %parallel_loop3A_87 : i32 to vector<16xi32>
      %parallel_loop3A_89 = arith.shrsi %parallel_loop3A_56, %parallel_loop3A_88 : vector<16xi32>
      %parallel_loop3A_90 = arith.constant 3 : i32
      %parallel_loop3A_91 = vector.broadcast %parallel_loop3A_90 : i32 to vector<16xi32>
      %parallel_loop3A_92 = arith.shrsi %parallel_loop3A_89, %parallel_loop3A_91 : vector<16xi32>
      %parallel_loop3A_93 = arith.constant 14 : i32
      %parallel_loop3A_94 = vector.broadcast %parallel_loop3A_93 : i32 to vector<16xi32>
      %parallel_loop3A_95 = arith.shli %parallel_loop3A_92, %parallel_loop3A_94 : vector<16xi32>
      %parallel_loop3A_96 = arith.constant 7 : i32
      %parallel_loop3A_97 = vector.broadcast %parallel_loop3A_96 : i32 to vector<16xi32>
      %parallel_loop3A_98 = arith.andi %parallel_loop3A_89, %parallel_loop3A_97 : vector<16xi32>
      %parallel_loop3A_99 = arith.constant 7 : i32
      %parallel_loop3A_100 = vector.broadcast %parallel_loop3A_99 : i32 to vector<16xi32>
      %parallel_loop3A_101 = arith.shli %parallel_loop3A_98, %parallel_loop3A_100 : vector<16xi32>
      %parallel_loop3A_102 = arith.addi %parallel_loop3A_95, %parallel_loop3A_101 : vector<16xi32>
      %parallel_loop3A_103 = arith.constant 589824 : i32
      %parallel_loop3A_104 = vector.broadcast %parallel_loop3A_103 : i32 to vector<16xi32>
      %parallel_loop3A_105 = arith.addi %parallel_loop3A_104, %parallel_loop3A_102 : vector<16xi32>
      %parallel_loop3A_106 = arith.addi %parallel_loop3A_105, %parallel_loop3A_66 : vector<16xi32>
      %parallel_loop3A_107 = arith.constant 512 : i32
      %parallel_loop3A_108 = arith.addi %parallel_loop3A_107, %parallel_loop3A_50 : i32
      %parallel_loop3A_109 = arith.index_cast %parallel_loop3A_108 : i32 to index
      %parallel_loop3A_110 = tpu.vector_load %arg23[%parallel_loop3A_109] {strides = array<i32>} : memref<1536xi32, #tpu.memory_space<vmem>>, vector<16xi32>,
      %parallel_loop3A_111 = vector.shape_cast %parallel_loop3A_110 : vector<16xi32> to vector<16xi32>
      %parallel_loop3A_112 = vector.shape_cast %parallel_loop3A_106 : vector<16xi32> to vector<16xi32>
      tpu.vector_store %arg23[%parallel_loop3A_109], %parallel_loop3A_112 {strides = array<i32>} : memref<1536xi32, #tpu.memory_space<vmem>>, vector<16xi32>,
      %parallel_loop3A_113 = arith.constant 4 : i32
      %parallel_loop3A_114 = vector.broadcast %parallel_loop3A_113 : i32 to vector<16xi32>
      %parallel_loop3A_115 = arith.shrsi %parallel_loop3A_56, %parallel_loop3A_114 : vector<16xi32>
      %parallel_loop3A_116 = arith.constant 3 : i32
      %parallel_loop3A_117 = vector.broadcast %parallel_loop3A_116 : i32 to vector<16xi32>
      %parallel_loop3A_118 = arith.shrsi %parallel_loop3A_115, %parallel_loop3A_117 : vector<16xi32>
      %parallel_loop3A_119 = arith.constant 14 : i32
      %parallel_loop3A_120 = vector.broadcast %parallel_loop3A_119 : i32 to vector<16xi32>
      %parallel_loop3A_121 = arith.shli %parallel_loop3A_118, %parallel_loop3A_120 : vector<16xi32>
      %parallel_loop3A_122 = arith.constant 7 : i32
      %parallel_loop3A_123 = vector.broadcast %parallel_loop3A_122 : i32 to vector<16xi32>
      %parallel_loop3A_124 = arith.andi %parallel_loop3A_115, %parallel_loop3A_123 : vector<16xi32>
      %parallel_loop3A_125 = arith.constant 7 : i32
      %parallel_loop3A_126 = vector.broadcast %parallel_loop3A_125 : i32 to vector<16xi32>
      %parallel_loop3A_127 = arith.shli %parallel_loop3A_124, %parallel_loop3A_126 : vector<16xi32>
      %parallel_loop3A_128 = arith.addi %parallel_loop3A_121, %parallel_loop3A_127 : vector<16xi32>
      %parallel_loop3A_129 = arith.constant 1179648 : i32
      %parallel_loop3A_130 = vector.broadcast %parallel_loop3A_129 : i32 to vector<16xi32>
      %parallel_loop3A_131 = arith.addi %parallel_loop3A_130, %parallel_loop3A_128 : vector<16xi32>
      %parallel_loop3A_132 = arith.addi %parallel_loop3A_131, %parallel_loop3A_66 : vector<16xi32>
      %parallel_loop3A_133 = arith.constant 1024 : i32
      %parallel_loop3A_134 = arith.addi %parallel_loop3A_133, %parallel_loop3A_50 : i32
      %parallel_loop3A_135 = arith.index_cast %parallel_loop3A_134 : i32 to index
      %parallel_loop3A_136 = tpu.vector_load %arg23[%parallel_loop3A_135] {strides = array<i32>} : memref<1536xi32, #tpu.memory_space<vmem>>, vector<16xi32>,
      %parallel_loop3A_137 = vector.shape_cast %parallel_loop3A_136 : vector<16xi32> to vector<16xi32>
      %parallel_loop3A_138 = vector.shape_cast %parallel_loop3A_132 : vector<16xi32> to vector<16xi32>
      tpu.vector_store %arg23[%parallel_loop3A_135], %parallel_loop3A_138 {strides = array<i32>} : memref<1536xi32, #tpu.memory_space<vmem>>, vector<16xi32>,
    } {sc.loop_unroll_factor = 1 : i64, sc.parallel_access}
    %dma_start3A_25 = arith.constant 0 : i32
    %dma_start3A_26 = tpu.memref_slice %arg11[%dma_start3A_25] : memref<1769472xf32, #tpu.memory_space<hbm>> -> memref<1769472xf32, #tpu.memory_space<hbm>>
    tpu.enqueue_indirect_dma source(%dma_start3A_26 : memref<1769472xf32, #tpu.memory_space<hbm>>) target(%arg24 : memref<1536xf32, #tpu.memory_space<vmem>>) offsets(%arg23 : memref<1536xi32, #tpu.memory_space<vmem>>) semaphore(%arg28 : memref<!tpu.dma_semaphore, #tpu.memory_space<semaphore_mem>>)
    %dma_start3A_27 = arith.constant 0 : i32
    %dma_start3A_28 = tpu.memref_slice %arg12[%dma_start3A_27] : memref<1769472xf32, #tpu.memory_space<hbm>> -> memref<1769472xf32, #tpu.memory_space<hbm>>
    tpu.enqueue_indirect_dma source(%dma_start3A_28 : memref<1769472xf32, #tpu.memory_space<hbm>>) target(%arg25 : memref<1536xf32, #tpu.memory_space<vmem>>) offsets(%arg23 : memref<1536xi32, #tpu.memory_space<vmem>>) semaphore(%arg28 : memref<!tpu.dma_semaphore, #tpu.memory_space<semaphore_mem>>)
    %dma_wait3A_29 = tpu.memref_slice %arg4[%mul3A_2] : memref<16384xi32, #tpu.memory_space<hbm>> -> memref<512xi32, #tpu.memory_space<hbm>>
    %dma_wait3A_30 = tpu.memref_slice %arg4[%mul3A_2] : memref<16384xi32, #tpu.memory_space<hbm>> -> memref<512xi32, #tpu.memory_space<hbm>>
    tpu.wait_dma2 semaphore(%arg27 : memref<!tpu.dma_semaphore, #tpu.memory_space<semaphore_mem>>) src(%dma_wait3A_30 : memref<512xi32, #tpu.memory_space<hbm>>) dst(%arg16 : memref<512xi32, #tpu.memory_space<vmem>>)
    %dma_wait3A_31 = tpu.memref_slice %arg5[%mul3A_2] : memref<16384xi32, #tpu.memory_space<hbm>> -> memref<512xi32, #tpu.memory_space<hbm>>
    %dma_wait3A_32 = tpu.memref_slice %arg5[%mul3A_2] : memref<16384xi32, #tpu.memory_space<hbm>> -> memref<512xi32, #tpu.memory_space<hbm>>
    tpu.wait_dma2 semaphore(%arg27 : memref<!tpu.dma_semaphore, #tpu.memory_space<semaphore_mem>>) src(%dma_wait3A_32 : memref<512xi32, #tpu.memory_space<hbm>>) dst(%arg17 : memref<512xi32, #tpu.memory_space<vmem>>)
    %dma_wait3A_33 = tpu.memref_slice %arg6[%mul3A_2] : memref<16384xi32, #tpu.memory_space<hbm>> -> memref<512xi32, #tpu.memory_space<hbm>>
    %dma_wait3A_34 = tpu.memref_slice %arg6[%mul3A_2] : memref<16384xi32, #tpu.memory_space<hbm>> -> memref<512xi32, #tpu.memory_space<hbm>>
    tpu.wait_dma2 semaphore(%arg27 : memref<!tpu.dma_semaphore, #tpu.memory_space<semaphore_mem>>) src(%dma_wait3A_34 : memref<512xi32, #tpu.memory_space<hbm>>) dst(%arg18 : memref<512xi32, #tpu.memory_space<vmem>>)
    %dma_wait3A_35 = tpu.memref_slice %arg7[%mul3A_2] : memref<16384xi32, #tpu.memory_space<hbm>> -> memref<512xi32, #tpu.memory_space<hbm>>
    %dma_wait3A_36 = tpu.memref_slice %arg7[%mul3A_2] : memref<16384xi32, #tpu.memory_space<hbm>> -> memref<512xi32, #tpu.memory_space<hbm>>
    tpu.wait_dma2 semaphore(%arg27 : memref<!tpu.dma_semaphore, #tpu.memory_space<semaphore_mem>>) src(%dma_wait3A_36 : memref<512xi32, #tpu.memory_space<hbm>>) dst(%arg19 : memref<512xi32, #tpu.memory_space<vmem>>)
    %dma_wait3A_37 = tpu.memref_slice %arg8[%mul3A_2] : memref<16384xf32, #tpu.memory_space<hbm>> -> memref<512xf32, #tpu.memory_space<hbm>>
    %dma_wait3A_38 = tpu.memref_slice %arg8[%mul3A_2] : memref<16384xf32, #tpu.memory_space<hbm>> -> memref<512xf32, #tpu.memory_space<hbm>>
    tpu.wait_dma2 semaphore(%arg27 : memref<!tpu.dma_semaphore, #tpu.memory_space<semaphore_mem>>) src(%dma_wait3A_38 : memref<512xf32, #tpu.memory_space<hbm>>) dst(%arg20 : memref<512xf32, #tpu.memory_space<vmem>>)
    %dma_wait3A_39 = tpu.memref_slice %arg9[%mul3A_2] : memref<16384xf32, #tpu.memory_space<hbm>> -> memref<512xf32, #tpu.memory_space<hbm>>
    %dma_wait3A_40 = tpu.memref_slice %arg9[%mul3A_2] : memref<16384xf32, #tpu.memory_space<hbm>> -> memref<512xf32, #tpu.memory_space<hbm>>
    tpu.wait_dma2 semaphore(%arg27 : memref<!tpu.dma_semaphore, #tpu.memory_space<semaphore_mem>>) src(%dma_wait3A_40 : memref<512xf32, #tpu.memory_space<hbm>>) dst(%arg21 : memref<512xf32, #tpu.memory_space<vmem>>)
    %dma_wait3A_41 = tpu.memref_slice %arg10[%mul3A_2] : memref<16384xf32, #tpu.memory_space<hbm>> -> memref<512xf32, #tpu.memory_space<hbm>>
    %dma_wait3A_42 = tpu.memref_slice %arg10[%mul3A_2] : memref<16384xf32, #tpu.memory_space<hbm>> -> memref<512xf32, #tpu.memory_space<hbm>>
    tpu.wait_dma2 semaphore(%arg27 : memref<!tpu.dma_semaphore, #tpu.memory_space<semaphore_mem>>) src(%dma_wait3A_42 : memref<512xf32, #tpu.memory_space<hbm>>) dst(%arg22 : memref<512xf32, #tpu.memory_space<vmem>>)
    %dma_wait3A_43 = arith.constant 0 : i32
    %dma_wait3A_44 = tpu.memref_slice %arg11[%dma_wait3A_43] : memref<1769472xf32, #tpu.memory_space<hbm>> -> memref<1769472xf32, #tpu.memory_space<hbm>>
    tpu.wait_indirect_dma semaphore(%arg28 : memref<!tpu.dma_semaphore, #tpu.memory_space<semaphore_mem>>) src(%dma_wait3A_44 : memref<1769472xf32, #tpu.memory_space<hbm>>) dst(%arg24 : memref<1536xf32, #tpu.memory_space<vmem>>)
    %dma_wait3A_45 = arith.constant 0 : i32
    %dma_wait3A_46 = tpu.memref_slice %arg12[%dma_wait3A_45] : memref<1769472xf32, #tpu.memory_space<hbm>> -> memref<1769472xf32, #tpu.memory_space<hbm>>
    tpu.wait_indirect_dma semaphore(%arg28 : memref<!tpu.dma_semaphore, #tpu.memory_space<semaphore_mem>>) src(%dma_wait3A_46 : memref<1769472xf32, #tpu.memory_space<hbm>>) dst(%arg25 : memref<1536xf32, #tpu.memory_space<vmem>>)
    %parallel_loop3A_47 = arith.constant 0 : i32
    %parallel_loop3A_48 = arith.constant 512 : i32
    %parallel_loop3A_49 = arith.constant 16 : i32
    scf.for %parallel_loop3A_50 = %parallel_loop3A_47 to %parallel_loop3A_48 step %parallel_loop3A_49  : i32 {
      %parallel_loop3A_51 = arith.index_cast %parallel_loop3A_50 : i32 to index
      %parallel_loop3A_52 = tpu.vector_load %arg14[%parallel_loop3A_51] {strides = array<i32>} : memref<512xi32, #tpu.memory_space<vmem>>, vector<16xi32>,
      %parallel_loop3A_53 = vector.shape_cast %parallel_loop3A_52 : vector<16xi32> to vector<16xi32>
      %parallel_loop3A_54 = arith.index_cast %parallel_loop3A_50 : i32 to index
      %parallel_loop3A_55 = tpu.vector_load %arg15[%parallel_loop3A_54] {strides = array<i32>} : memref<512xi32, #tpu.memory_space<vmem>>, vector<16xi32>,
      %parallel_loop3A_56 = vector.shape_cast %parallel_loop3A_55 : vector<16xi32> to vector<16xi32>
      %parallel_loop3A_57 = arith.index_cast %parallel_loop3A_50 : i32 to index
      %parallel_loop3A_58 = tpu.vector_load %arg16[%parallel_loop3A_57] {strides = array<i32>} : memref<512xi32, #tpu.memory_space<vmem>>, vector<16xi32>,
      %parallel_loop3A_59 = vector.shape_cast %parallel_loop3A_58 : vector<16xi32> to vector<16xi32>
      %parallel_loop3A_60 = arith.index_cast %parallel_loop3A_50 : i32 to index
      %parallel_loop3A_61 = tpu.vector_load %arg17[%parallel_loop3A_60] {strides = array<i32>} : memref<512xi32, #tpu.memory_space<vmem>>, vector<16xi32>,
      %parallel_loop3A_62 = vector.shape_cast %parallel_loop3A_61 : vector<16xi32> to vector<16xi32>
      %parallel_loop3A_63 = arith.index_cast %parallel_loop3A_50 : i32 to index
      %parallel_loop3A_64 = tpu.vector_load %arg18[%parallel_loop3A_63] {strides = array<i32>} : memref<512xi32, #tpu.memory_space<vmem>>, vector<16xi32>,
      %parallel_loop3A_65 = vector.shape_cast %parallel_loop3A_64 : vector<16xi32> to vector<16xi32>
      %parallel_loop3A_66 = arith.index_cast %parallel_loop3A_50 : i32 to index
      %parallel_loop3A_67 = tpu.vector_load %arg19[%parallel_loop3A_66] {strides = array<i32>} : memref<512xi32, #tpu.memory_space<vmem>>, vector<16xi32>,
      %parallel_loop3A_68 = vector.shape_cast %parallel_loop3A_67 : vector<16xi32> to vector<16xi32>
      %parallel_loop3A_69 = arith.index_cast %parallel_loop3A_50 : i32 to index
      %parallel_loop3A_70 = tpu.vector_load %arg20[%parallel_loop3A_69] {strides = array<i32>} : memref<512xf32, #tpu.memory_space<vmem>>, vector<16xf32>,
      %parallel_loop3A_71 = vector.shape_cast %parallel_loop3A_70 : vector<16xf32> to vector<16xf32>
      %parallel_loop3A_72 = arith.index_cast %parallel_loop3A_50 : i32 to index
      %parallel_loop3A_73 = tpu.vector_load %arg21[%parallel_loop3A_72] {strides = array<i32>} : memref<512xf32, #tpu.memory_space<vmem>>, vector<16xf32>,
      %parallel_loop3A_74 = vector.shape_cast %parallel_loop3A_73 : vector<16xf32> to vector<16xf32>
      %parallel_loop3A_75 = arith.index_cast %parallel_loop3A_50 : i32 to index
      %parallel_loop3A_76 = tpu.vector_load %arg22[%parallel_loop3A_75] {strides = array<i32>} : memref<512xf32, #tpu.memory_space<vmem>>, vector<16xf32>,
      %parallel_loop3A_77 = vector.shape_cast %parallel_loop3A_76 : vector<16xf32> to vector<16xf32>
      %parallel_loop3A_78 = arith.constant 0 : i32
      %parallel_loop3A_79 = arith.addi %parallel_loop3A_78, %parallel_loop3A_50 : i32
      %parallel_loop3A_80 = arith.index_cast %parallel_loop3A_79 : i32 to index
      %parallel_loop3A_81 = tpu.vector_load %arg24[%parallel_loop3A_80] {strides = array<i32>} : memref<1536xf32, #tpu.memory_space<vmem>>, vector<16xf32>,
      %parallel_loop3A_82 = vector.shape_cast %parallel_loop3A_81 : vector<16xf32> to vector<16xf32>
      %parallel_loop3A_83 = arith.constant 0 : i32
      %parallel_loop3A_84 = arith.addi %parallel_loop3A_83, %parallel_loop3A_50 : i32
      %parallel_loop3A_85 = arith.index_cast %parallel_loop3A_84 : i32 to index
      %parallel_loop3A_86 = tpu.vector_load %arg25[%parallel_loop3A_85] {strides = array<i32>} : memref<1536xf32, #tpu.memory_space<vmem>>, vector<16xf32>,
      %parallel_loop3A_87 = vector.shape_cast %parallel_loop3A_86 : vector<16xf32> to vector<16xf32>
      %parallel_loop3A_88 = arith.constant 512 : i32
      %parallel_loop3A_89 = arith.addi %parallel_loop3A_88, %parallel_loop3A_50 : i32
      %parallel_loop3A_90 = arith.index_cast %parallel_loop3A_89 : i32 to index
      %parallel_loop3A_91 = tpu.vector_load %arg24[%parallel_loop3A_90] {strides = array<i32>} : memref<1536xf32, #tpu.memory_space<vmem>>, vector<16xf32>,
      %parallel_loop3A_92 = vector.shape_cast %parallel_loop3A_91 : vector<16xf32> to vector<16xf32>
      %parallel_loop3A_93 = arith.constant 512 : i32
      %parallel_loop3A_94 = arith.addi %parallel_loop3A_93, %parallel_loop3A_50 : i32
      %parallel_loop3A_95 = arith.index_cast %parallel_loop3A_94 : i32 to index
      %parallel_loop3A_96 = tpu.vector_load %arg25[%parallel_loop3A_95] {strides = array<i32>} : memref<1536xf32, #tpu.memory_space<vmem>>, vector<16xf32>,
      %parallel_loop3A_97 = vector.shape_cast %parallel_loop3A_96 : vector<16xf32> to vector<16xf32>
      %parallel_loop3A_98 = arith.constant 1024 : i32
      %parallel_loop3A_99 = arith.addi %parallel_loop3A_98, %parallel_loop3A_50 : i32
      %parallel_loop3A_100 = arith.index_cast %parallel_loop3A_99 : i32 to index
      %parallel_loop3A_101 = tpu.vector_load %arg24[%parallel_loop3A_100] {strides = array<i32>} : memref<1536xf32, #tpu.memory_space<vmem>>, vector<16xf32>,
      %parallel_loop3A_102 = vector.shape_cast %parallel_loop3A_101 : vector<16xf32> to vector<16xf32>
      %parallel_loop3A_103 = arith.constant 1024 : i32
      %parallel_loop3A_104 = arith.addi %parallel_loop3A_103, %parallel_loop3A_50 : i32
      %parallel_loop3A_105 = arith.index_cast %parallel_loop3A_104 : i32 to index
      %parallel_loop3A_106 = tpu.vector_load %arg25[%parallel_loop3A_105] {strides = array<i32>} : memref<1536xf32, #tpu.memory_space<vmem>>, vector<16xf32>,
      %parallel_loop3A_107 = vector.shape_cast %parallel_loop3A_106 : vector<16xf32> to vector<16xf32>
      %parallel_loop3A_108 = arith.constant 0 : i32
      %parallel_loop3A_109 = vector.broadcast %parallel_loop3A_108 : i32 to vector<16xi32>
      %parallel_loop3A_110 = arith.cmpi ne, %parallel_loop3A_65, %parallel_loop3A_109 : vector<16xi32>
      %parallel_loop3A_111 = tpu.bitcast %parallel_loop3A_77 : vector<16xf32> -> vector<16xi32>
      %parallel_loop3A_112 = arith.constant 2147483647 : i32
      %parallel_loop3A_113 = vector.broadcast %parallel_loop3A_112 : i32 to vector<16xi32>
      %parallel_loop3A_114 = arith.andi %parallel_loop3A_111, %parallel_loop3A_113 : vector<16xi32>
      %parallel_loop3A_115 = arith.constant 2139095040 : i32
      %parallel_loop3A_116 = vector.broadcast %parallel_loop3A_115 : i32 to vector<16xi32>
      %parallel_loop3A_117 = arith.cmpi sgt, %parallel_loop3A_114, %parallel_loop3A_116 : vector<16xi32>
      %parallel_loop3A_118 = arith.andi %parallel_loop3A_117, %parallel_loop3A_110 : vector<16xi1>
      %parallel_loop3A_119 = arith.select %parallel_loop3A_118, %parallel_loop3A_71, %parallel_loop3A_77 : vector<16xi1>, vector<16xf32>
      %parallel_loop3A_120 = arith.constant 2 : i32
      %parallel_loop3A_121 = vector.broadcast %parallel_loop3A_120 : i32 to vector<16xi32>
      %parallel_loop3A_122 = arith.shrsi %parallel_loop3A_56, %parallel_loop3A_121 : vector<16xi32>
      %parallel_loop3A_123 = arith.constant 4 : i32
      %parallel_loop3A_124 = vector.broadcast %parallel_loop3A_123 : i32 to vector<16xi32>
      %parallel_loop3A_125 = arith.shrsi %parallel_loop3A_56, %parallel_loop3A_124 : vector<16xi32>
      %parallel_loop3A_126 = arith.constant 2 : i32
      %parallel_loop3A_127 = vector.broadcast %parallel_loop3A_126 : i32 to vector<16xi32>
      %parallel_loop3A_128 = arith.shrsi %parallel_loop3A_62, %parallel_loop3A_127 : vector<16xi32>
      %parallel_loop3A_129 = arith.constant 4 : i32
      %parallel_loop3A_130 = vector.broadcast %parallel_loop3A_129 : i32 to vector<16xi32>
      %parallel_loop3A_131 = arith.shrsi %parallel_loop3A_62, %parallel_loop3A_130 : vector<16xi32>
      %parallel_loop3A_132 = arith.constant 1 : i32
      %parallel_loop3A_133 = vector.broadcast %parallel_loop3A_132 : i32 to vector<16xi32>
      %parallel_loop3A_134 = arith.cmpi sge, %parallel_loop3A_59, %parallel_loop3A_133 : vector<16xi32>
      %parallel_loop3A_135 = arith.cmpi sgt, %parallel_loop3A_53, %parallel_loop3A_59 : vector<16xi32>
      %parallel_loop3A_136 = arith.cmpi eq, %parallel_loop3A_53, %parallel_loop3A_59 : vector<16xi32>
      %parallel_loop3A_137 = arith.cmpi sgt, %parallel_loop3A_122, %parallel_loop3A_128 : vector<16xi32>
      %parallel_loop3A_138 = arith.andi %parallel_loop3A_136, %parallel_loop3A_137 : vector<16xi1>
      %parallel_loop3A_139 = arith.ori %parallel_loop3A_135, %parallel_loop3A_138 : vector<16xi1>
      %parallel_loop3A_140 = arith.andi %parallel_loop3A_134, %parallel_loop3A_139 : vector<16xi1>
      %parallel_loop3A_141 = arith.constant 0 : i32
      %parallel_loop3A_142 = vector.broadcast %parallel_loop3A_141 : i32 to vector<16xi32>
      %parallel_loop3A_143 = arith.cmpi sgt, %parallel_loop3A_65, %parallel_loop3A_142 : vector<16xi32>
      %parallel_loop3A_144 = arith.constant 3.000000e+00 : f32
      %parallel_loop3A_145 = vector.broadcast %parallel_loop3A_144 : f32 to vector<16xf32>
      %parallel_loop3A_146 = arith.mulf %parallel_loop3A_145, %parallel_loop3A_82 : vector<16xf32>
      %parallel_loop3A_147 = arith.subf %parallel_loop3A_87, %parallel_loop3A_146 : vector<16xf32>
      %parallel_loop3A_148 = arith.constant 0 : i32
      %parallel_loop3A_149 = vector.broadcast %parallel_loop3A_148 : i32 to vector<16xi32>
      %parallel_loop3A_150 = arith.cmpi slt, %parallel_loop3A_65, %parallel_loop3A_149 : vector<16xi32>
      %parallel_loop3A_151 = arith.constant 3.000000e+00 : f32
      %parallel_loop3A_152 = vector.broadcast %parallel_loop3A_151 : f32 to vector<16xf32>
      %parallel_loop3A_153 = arith.mulf %parallel_loop3A_152, %parallel_loop3A_82 : vector<16xf32>
      %parallel_loop3A_154 = arith.addf %parallel_loop3A_87, %parallel_loop3A_153 : vector<16xf32>
      %parallel_loop3A_155 = arith.select %parallel_loop3A_150, %parallel_loop3A_154, %parallel_loop3A_74 : vector<16xi1>, vector<16xf32>
      %parallel_loop3A_156 = arith.select %parallel_loop3A_143, %parallel_loop3A_147, %parallel_loop3A_155 : vector<16xi1>, vector<16xf32>
      %parallel_loop3A_157 = arith.constant 0 : i32
      %parallel_loop3A_158 = vector.broadcast %parallel_loop3A_157 : i32 to vector<16xi32>
      %parallel_loop3A_159 = arith.cmpi eq, %parallel_loop3A_68, %parallel_loop3A_158 : vector<16xi32>
      %parallel_loop3A_160 = arith.andi %parallel_loop3A_159, %parallel_loop3A_110 : vector<16xi1>
      %parallel_loop3A_161 = arith.constant 0 : i32
      %parallel_loop3A_162 = vector.broadcast %parallel_loop3A_161 : i32 to vector<16xi32>
      %parallel_loop3A_163 = arith.cmpi sgt, %parallel_loop3A_65, %parallel_loop3A_162 : vector<16xi32>
      %parallel_loop3A_164 = arith.cmpf ogt, %parallel_loop3A_156, %parallel_loop3A_71 : vector<16xf32>
      %parallel_loop3A_165 = arith.andi %parallel_loop3A_163, %parallel_loop3A_164 : vector<16xi1>
      %parallel_loop3A_166 = arith.constant 0 : i32
      %parallel_loop3A_167 = vector.broadcast %parallel_loop3A_166 : i32 to vector<16xi32>
      %parallel_loop3A_168 = arith.cmpi slt, %parallel_loop3A_65, %parallel_loop3A_167 : vector<16xi32>
      %parallel_loop3A_169 = arith.cmpf olt, %parallel_loop3A_156, %parallel_loop3A_71 : vector<16xf32>
      %parallel_loop3A_170 = arith.andi %parallel_loop3A_168, %parallel_loop3A_169 : vector<16xi1>
      %parallel_loop3A_171 = arith.ori %parallel_loop3A_165, %parallel_loop3A_170 : vector<16xi1>
      %parallel_loop3A_172 = arith.andi %parallel_loop3A_160, %parallel_loop3A_171 : vector<16xi1>
      %parallel_loop3A_173 = arith.andi %parallel_loop3A_172, %parallel_loop3A_140 : vector<16xi1>
      %parallel_loop3A_174 = arith.select %parallel_loop3A_173, %parallel_loop3A_156, %parallel_loop3A_74 : vector<16xi1>, vector<16xf32>
      %parallel_loop3A_175 = arith.constant 1 : i32
      %parallel_loop3A_176 = vector.broadcast %parallel_loop3A_175 : i32 to vector<16xi32>
      %parallel_loop3A_177 = arith.select %parallel_loop3A_173, %parallel_loop3A_176, %parallel_loop3A_68 : vector<16xi1>, vector<16xi32>
      %parallel_loop3A_178 = arith.constant 1 : i32
      %parallel_loop3A_179 = vector.broadcast %parallel_loop3A_178 : i32 to vector<16xi32>
      %parallel_loop3A_180 = arith.cmpi eq, %parallel_loop3A_177, %parallel_loop3A_179 : vector<16xi32>
      %parallel_loop3A_181 = arith.andi %parallel_loop3A_180, %parallel_loop3A_110 : vector<16xi1>
      %parallel_loop3A_182 = arith.constant 0 : i32
      %parallel_loop3A_183 = vector.broadcast %parallel_loop3A_182 : i32 to vector<16xi32>
      %parallel_loop3A_184 = arith.select %parallel_loop3A_181, %parallel_loop3A_65, %parallel_loop3A_183 : vector<16xi1>, vector<16xi32>
      %parallel_loop3A_185 = arith.constant 0 : i32
      %parallel_loop3A_186 = vector.broadcast %parallel_loop3A_185 : i32 to vector<16xi32>
      %parallel_loop3A_187 = arith.cmpi sgt, %parallel_loop3A_184, %parallel_loop3A_186 : vector<16xi32>
      %parallel_loop3A_188 = arith.constant 3.000000e+00 : f32
      %parallel_loop3A_189 = vector.broadcast %parallel_loop3A_188 : f32 to vector<16xf32>
      %parallel_loop3A_190 = arith.mulf %parallel_loop3A_189, %parallel_loop3A_92 : vector<16xf32>
      %parallel_loop3A_191 = arith.subf %parallel_loop3A_97, %parallel_loop3A_190 : vector<16xf32>
      %parallel_loop3A_192 = arith.constant 0 : i32
      %parallel_loop3A_193 = vector.broadcast %parallel_loop3A_192 : i32 to vector<16xi32>
      %parallel_loop3A_194 = arith.cmpi slt, %parallel_loop3A_184, %parallel_loop3A_193 : vector<16xi32>
      %parallel_loop3A_195 = arith.constant 3.000000e+00 : f32
      %parallel_loop3A_196 = vector.broadcast %parallel_loop3A_195 : f32 to vector<16xf32>
      %parallel_loop3A_197 = arith.mulf %parallel_loop3A_196, %parallel_loop3A_92 : vector<16xf32>
      %parallel_loop3A_198 = arith.addf %parallel_loop3A_97, %parallel_loop3A_197 : vector<16xf32>
      %parallel_loop3A_199 = arith.select %parallel_loop3A_194, %parallel_loop3A_198, %parallel_loop3A_174 : vector<16xi1>, vector<16xf32>
      %parallel_loop3A_200 = arith.select %parallel_loop3A_187, %parallel_loop3A_191, %parallel_loop3A_199 : vector<16xi1>, vector<16xf32>
      %parallel_loop3A_201 = arith.constant 0 : i32
      %parallel_loop3A_202 = vector.broadcast %parallel_loop3A_201 : i32 to vector<16xi32>
      %parallel_loop3A_203 = arith.cmpi sgt, %parallel_loop3A_65, %parallel_loop3A_202 : vector<16xi32>
      %parallel_loop3A_204 = arith.subf %parallel_loop3A_200, %parallel_loop3A_174 : vector<16xf32>
      %parallel_loop3A_205 = arith.subf %parallel_loop3A_174, %parallel_loop3A_200 : vector<16xf32>
      %parallel_loop3A_206 = arith.select %parallel_loop3A_203, %parallel_loop3A_204, %parallel_loop3A_205 : vector<16xi1>, vector<16xf32>
      %parallel_loop3A_207 = arith.subf %parallel_loop3A_119, %parallel_loop3A_174 : vector<16xf32>
      %parallel_loop3A_208 = math.absf %parallel_loop3A_207 : vector<16xf32>
      %parallel_loop3A_209 = arith.constant 1.000000e-01 : f32
      %parallel_loop3A_210 = vector.broadcast %parallel_loop3A_209 : f32 to vector<16xf32>
      %parallel_loop3A_211 = arith.mulf %parallel_loop3A_210, %parallel_loop3A_208 : vector<16xf32>
      %parallel_loop3A_212 = arith.constant 2 : i32
      %parallel_loop3A_213 = vector.broadcast %parallel_loop3A_212 : i32 to vector<16xi32>
      %parallel_loop3A_214 = arith.cmpi sge, %parallel_loop3A_59, %parallel_loop3A_213 : vector<16xi32>
      %parallel_loop3A_215 = arith.cmpi sgt, %parallel_loop3A_53, %parallel_loop3A_59 : vector<16xi32>
      %parallel_loop3A_216 = arith.cmpi eq, %parallel_loop3A_53, %parallel_loop3A_59 : vector<16xi32>
      %parallel_loop3A_217 = arith.cmpi sgt, %parallel_loop3A_125, %parallel_loop3A_131 : vector<16xi32>
      %parallel_loop3A_218 = arith.andi %parallel_loop3A_216, %parallel_loop3A_217 : vector<16xi1>
      %parallel_loop3A_219 = arith.ori %parallel_loop3A_215, %parallel_loop3A_218 : vector<16xi1>
      %parallel_loop3A_220 = arith.andi %parallel_loop3A_214, %parallel_loop3A_219 : vector<16xi1>
      %parallel_loop3A_221 = arith.cmpf ogt, %parallel_loop3A_206, %parallel_loop3A_211 : vector<16xf32>
      %parallel_loop3A_222 = arith.andi %parallel_loop3A_181, %parallel_loop3A_221 : vector<16xi1>
      %parallel_loop3A_223 = arith.andi %parallel_loop3A_222, %parallel_loop3A_220 : vector<16xi1>
      %parallel_loop3A_224 = arith.select %parallel_loop3A_223, %parallel_loop3A_200, %parallel_loop3A_174 : vector<16xi1>, vector<16xf32>
      %parallel_loop3A_225 = arith.constant 2 : i32
      %parallel_loop3A_226 = vector.broadcast %parallel_loop3A_225 : i32 to vector<16xi32>
      %parallel_loop3A_227 = arith.select %parallel_loop3A_223, %parallel_loop3A_226, %parallel_loop3A_177 : vector<16xi1>, vector<16xi32>
      %parallel_loop3A_228 = arith.constant 2 : i32
      %parallel_loop3A_229 = vector.broadcast %parallel_loop3A_228 : i32 to vector<16xi32>
      %parallel_loop3A_230 = arith.cmpi eq, %parallel_loop3A_227, %parallel_loop3A_229 : vector<16xi32>
      %parallel_loop3A_231 = arith.andi %parallel_loop3A_230, %parallel_loop3A_110 : vector<16xi1>
      %parallel_loop3A_232 = arith.constant 0 : i32
      %parallel_loop3A_233 = vector.broadcast %parallel_loop3A_232 : i32 to vector<16xi32>
      %parallel_loop3A_234 = arith.select %parallel_loop3A_231, %parallel_loop3A_65, %parallel_loop3A_233 : vector<16xi1>, vector<16xi32>
      %parallel_loop3A_235 = arith.constant 0 : i32
      %parallel_loop3A_236 = vector.broadcast %parallel_loop3A_235 : i32 to vector<16xi32>
      %parallel_loop3A_237 = arith.cmpi sgt, %parallel_loop3A_234, %parallel_loop3A_236 : vector<16xi32>
      %parallel_loop3A_238 = arith.constant 3.000000e+00 : f32
      %parallel_loop3A_239 = vector.broadcast %parallel_loop3A_238 : f32 to vector<16xf32>
      %parallel_loop3A_240 = arith.mulf %parallel_loop3A_239, %parallel_loop3A_102 : vector<16xf32>
      %parallel_loop3A_241 = arith.subf %parallel_loop3A_107, %parallel_loop3A_240 : vector<16xf32>
      %parallel_loop3A_242 = arith.constant 0 : i32
      %parallel_loop3A_243 = vector.broadcast %parallel_loop3A_242 : i32 to vector<16xi32>
      %parallel_loop3A_244 = arith.cmpi slt, %parallel_loop3A_234, %parallel_loop3A_243 : vector<16xi32>
      %parallel_loop3A_245 = arith.constant 3.000000e+00 : f32
      %parallel_loop3A_246 = vector.broadcast %parallel_loop3A_245 : f32 to vector<16xf32>
      %parallel_loop3A_247 = arith.mulf %parallel_loop3A_246, %parallel_loop3A_102 : vector<16xf32>
      %parallel_loop3A_248 = arith.addf %parallel_loop3A_107, %parallel_loop3A_247 : vector<16xf32>
      %parallel_loop3A_249 = arith.select %parallel_loop3A_244, %parallel_loop3A_248, %parallel_loop3A_224 : vector<16xi1>, vector<16xf32>
      %parallel_loop3A_250 = arith.select %parallel_loop3A_237, %parallel_loop3A_241, %parallel_loop3A_249 : vector<16xi1>, vector<16xf32>
      %parallel_loop3A_251 = arith.constant 0 : i32
      %parallel_loop3A_252 = vector.broadcast %parallel_loop3A_251 : i32 to vector<16xi32>
      %parallel_loop3A_253 = arith.cmpi sgt, %parallel_loop3A_65, %parallel_loop3A_252 : vector<16xi32>
      %parallel_loop3A_254 = arith.subf %parallel_loop3A_250, %parallel_loop3A_224 : vector<16xf32>
      %parallel_loop3A_255 = arith.subf %parallel_loop3A_224, %parallel_loop3A_250 : vector<16xf32>
      %parallel_loop3A_256 = arith.select %parallel_loop3A_253, %parallel_loop3A_254, %parallel_loop3A_255 : vector<16xi1>, vector<16xf32>
      %parallel_loop3A_257 = arith.subf %parallel_loop3A_119, %parallel_loop3A_224 : vector<16xf32>
      %parallel_loop3A_258 = math.absf %parallel_loop3A_257 : vector<16xf32>
      %parallel_loop3A_259 = arith.constant 1.000000e-01 : f32
      %parallel_loop3A_260 = vector.broadcast %parallel_loop3A_259 : f32 to vector<16xf32>
      %parallel_loop3A_261 = arith.mulf %parallel_loop3A_260, %parallel_loop3A_258 : vector<16xf32>
      %parallel_loop3A_262 = arith.cmpf ogt, %parallel_loop3A_256, %parallel_loop3A_261 : vector<16xf32>
      %parallel_loop3A_263 = arith.andi %parallel_loop3A_231, %parallel_loop3A_262 : vector<16xi1>
      %parallel_loop3A_264 = arith.select %parallel_loop3A_263, %parallel_loop3A_250, %parallel_loop3A_224 : vector<16xi1>, vector<16xf32>
      %parallel_loop3A_265 = arith.index_cast %parallel_loop3A_50 : i32 to index
      %parallel_loop3A_266 = tpu.vector_load %arg26[%parallel_loop3A_265] {strides = array<i32>} : memref<512xf32, #tpu.memory_space<vmem>>, vector<16xf32>,
      %parallel_loop3A_267 = vector.shape_cast %parallel_loop3A_266 : vector<16xf32> to vector<16xf32>
      %parallel_loop3A_268 = vector.shape_cast %parallel_loop3A_264 : vector<16xf32> to vector<16xf32>
      tpu.vector_store %arg26[%parallel_loop3A_265], %parallel_loop3A_268 {strides = array<i32>} : memref<512xf32, #tpu.memory_space<vmem>>, vector<16xf32>,
    } {sc.loop_unroll_factor = 1 : i64, sc.parallel_access}
    "tpu.region"() ({
      %run_scoped3A = tpu.sem_alloc : memref<!tpu.dma_semaphore, #tpu.memory_space<semaphore_mem>>
      %dma_start3A_50 = tpu.memref_slice %arg13[%mul3A_2] : memref<16384xf32, #tpu.memory_space<hbm>> -> memref<512xf32, #tpu.memory_space<hbm>>
      %dma_start3A_51 = tpu.memref_slice %arg13[%mul3A_2] : memref<16384xf32, #tpu.memory_space<hbm>> -> memref<512xf32, #tpu.memory_space<hbm>>
      tpu.enqueue_dma source(%arg26 : memref<512xf32, #tpu.memory_space<vmem>>) target(%dma_start3A_51 : memref<512xf32, #tpu.memory_space<hbm>>) target_semaphore(%run_scoped3A : memref<!tpu.dma_semaphore, #tpu.memory_space<semaphore_mem>>)
      %dma_wait3A_52 = tpu.memref_slice %arg13[%mul3A_2] : memref<16384xf32, #tpu.memory_space<hbm>> -> memref<512xf32, #tpu.memory_space<hbm>>
      %dma_wait3A_53 = tpu.memref_slice %arg13[%mul3A_2] : memref<16384xf32, #tpu.memory_space<hbm>> -> memref<512xf32, #tpu.memory_space<hbm>>
      tpu.wait_dma2 semaphore(%run_scoped3A : memref<!tpu.dma_semaphore, #tpu.memory_space<semaphore_mem>>) src(%arg26 : memref<512xf32, #tpu.memory_space<vmem>>) dst(%dma_wait3A_53 : memref<512xf32, #tpu.memory_space<hbm>>)
      tpu.yield
    }) : () -> ()
    return
  }
}

</mosaic_0001>

<sc_bundles>
// kernel: kernel.3.cloned.1.call-start
scs
__scs_entry_jumppad:
0x0: {  	(pc) =	sbr.rel $0x88, $3  }
0x1: {  	(tag) =	ssettag $0x0;
	lr =	simm.s32 $0x1  }
0x2: {  	[smem:$0x3F96] =	sst lr;
	_ =	strace $0xD0000000  }
0x3: {  	_ = 	snop  }
0x4: {  	_ = 	snop  }
0x5: {  	_ = 	snop  }
0x6: {  	_ = 	snop  }
0x7: {  	_ = 	snop  }
__scs_overlays_trampoline_lowered:
0x8: {  	[smem:$0x3FA5] =	sst s0  }
0x9: {  	[smem:$0x3FA6] =	sst s1  }
0xa: {  	[smem:$0x3FA7] =	sst s2  }
0xb: {  	[smem:$0x3FA8] =	sst s3  }
0xc: {  	[smem:$0x3FA9] =	sst s4  }
0xd: {  	[smem:$0x3FAA] =	sst s5  }
0xe: {  	[smem:$0x3FAB] =	sst s6  }
0xf: {  	[smem:$0x3FAC] =	sst s7  }
0x10: {  	[smem:$0x3FAD] =	sst s8  }
0x11: {  	[smem:$0x3FAE] =	sst s9;
	s0 =	simm.s32 @!p0 $0x0  }
0x12: {  	s1 =	sld [smem:$0x3F94];
	s0 =	simm.s32 @p0 $0x1  }
0x13: {  	[smem:$0x3FAF] =	sst s0;
	s0 =	simm.s32 @!p1 $0x0  }
0x14: {  	s2 =	sld [smem:$0x3F93];
	s0 =	simm.s32 @p1 $0x1  }
0x15: {  	[smem:$0x3FB0] =	sst s0;
	s0 =	simm.s32 @!p2 $0x0  }
0x16: {  	s3 =	sld [smem:$0x3FDB];
	s0 =	simm.s32 @p2 $0x1  }
0x17: {  	s4 =	simm.s32 $0x1BF5;
	[smem:$0x3FB2] =	sst s0  }
0x18: {  	s0 =	sld [smem:$0x3F95];
	_ =	swait.ge [sflag:s4], $0x0  }
0x19: {  	s7 =	sld [smem:$0x3F96]  }
0x1a: {  	s8 =	sadd.s32 $0xFFFFE003, lr  }
0x1b: {  	s9 =	sadd.s32 $0xFFFFFEF7, lr;
	s5 =	simm.s32 $0xFFFFFFFF;
	p2 =	slt.u32 s8, $0xFFFFF086  }
0x1c: {  	p1 =	slt.u32 s9, $0xF7A;
	s5 =	simm.s32 @!p2 $0x0  }
0x1d: {  	s5 =	simm.s32 @p1 $0x1;
	p0 =	seq.s32 s7, s2  }
0x1e: {  	s7 =	smul.u32 @!p0 $0xF7A, s2;
	p2 =	seq.s32 @!p0 s5, $0x0  }
0x1f: {  	s9 =	smul.u32 $0xF7A, s1;
	s8 =	simm.s32 @!p0 $0x1BF5;
	p2 =	por !p2, p0  }
0x20: {  	[sflag:s8] =	ssyncset.s32 @!p0 $0xFFFFF086;
	s6 =	sadd.s32 @!p0 s3, s7;
	s7 =	simm.s32 @!p0 $0x108  }
0x21: {  	s3 =	sadd.s32 s3, s9;
	s6 =	sadd.s32 @!p0 $0x88, s6;
	s7 =	simm.s32 @p2 $0x1082  }
0x22: {  	[simem:s7], [sflag:s8] =	dma.local @!p0 [hbm:s6], $0xF7A  }
0x23: {  	s9 =	sor.u32 $0xD0000000, s2;
	s6 =	simm.s32 $0x108;
	_ =	swait.ge @!p0 [sflag:s8], $0x0  }
0x24: {  	s3 =	sadd.s32 $0x88, s3;
	s6 =	simm.s32 @!p1 $0x1082;
	[sflag:s4] =	ssyncset.s32 $0xFFFFF086  }
0x25: {  	[simem:s6], [sflag:s4] =	dma.local [hbm:s3], $0xF7A  }
0x26: {  	[smem:$0x3F96] =	sst s1;
	(tag) =	ssettag s2;
	_ =	strace s9  }
0x27: {  	s1 =	sld [smem:$0x3FA6]  }
0x28: {  	s2 =	sld [smem:$0x3FA7]  }
0x29: {  	s4 =	sld [smem:$0x3FA9]  }
0x2a: {  	p0 =	seq.s32 s5, $0x0;
	s5 =	sld [smem:$0x3FAA]  }
0x2b: {  	s6 =	sld [smem:$0x3FAB]  }
0x2c: {  	s7 =	sld [smem:$0x3FAC]  }
0x2d: {  	s3 =	simm.s32 $0x108;
	s8 =	sld [smem:$0x3FAD]  }
0x2e: {  	s3 =	simm.s32 @!p0 $0x1082;
	s9 =	sld [smem:$0x3FAE]  }
0x2f: {  	lr =	sadd.s32 s0, s3;
	s0 =	sld [smem:$0x3FA5]  }
0x30: {  	s3 =	sld [smem:$0x3FA8]  }
0x31: {  	[smem:$0x3FB1] =	sst s10  }
0x32: {  	s10 =	sld [smem:$0x3FAF];
	_ =	sdelay $0x3  }
0x33: {  	p0 =	seq.s32 s10, $0x1;
	s10 =	sld [smem:$0x3FB1];
	_ =	sdelay $0x3  }
0x34: {  	[smem:$0x3FB1] =	sst s10  }
0x35: {  	s10 =	sld [smem:$0x3FB0];
	_ =	sdelay $0x3  }
0x36: {  	p1 =	seq.s32 s10, $0x1;
	s10 =	sld [smem:$0x3FB1];
	_ =	sdelay $0x3  }
0x37: {  	[smem:$0x3FB1] =	sst s10  }
0x38: {  	s10 =	sld [smem:$0x3FB2]  }
0x39: {  	_ = 	snop;
	(pc) =	sbr.ind lr, $3  }
0x3a: {  	_ = 	snop  }
0x3b: {  	_ = 	snop  }
0x3c: {  	p2 =	seq.s32 s10, $0x1;
	s10 =	sld [smem:$0x3FB1]  }
0x3d: {  	_ =	shalt  }
0x3e: {  	_ =	shalt  }
0x3f: {  	_ =	shalt  }
0x40: {  	_ =	shalt  }
0x41: {  	_ =	shalt  }
0x42: {  	_ =	shalt  }
0x43: {  	_ =	shalt  }
0x44: {  	_ =	shalt  }
0x45: {  	_ =	shalt  }
0x46: {  	_ =	shalt  }
0x47: {  	_ =	shalt  }
0x48: {  	_ =	shalt  }
0x49: {  	_ =	shalt  }
0x4a: {  	_ =	shalt  }
0x4b: {  	_ =	shalt  }
0x4c: {  	_ =	shalt  }
0x4d: {  	_ =	shalt  }
0x4e: {  	_ =	shalt  }
0x4f: {  	_ =	shalt  }
0x50: {  	_ =	shalt  }
0x51: {  	_ =	shalt  }
0x52: {  	_ =	shalt  }
0x53: {  	_ =	shalt  }
0x54: {  	_ =	shalt  }
0x55: {  	_ =	shalt  }
0x56: {  	_ =	shalt  }
0x57: {  	_ =	shalt  }
0x58: {  	_ =	shalt  }
0x59: {  	_ =	shalt  }
0x5a: {  	_ =	shalt  }
0x5b: {  	_ =	shalt  }
0x5c: {  	_ =	shalt  }
0x5d: {  	_ =	shalt  }
0x5e: {  	_ =	shalt  }
0x5f: {  	_ =	shalt  }
0x60: {  	_ =	shalt  }
0x61: {  	_ =	shalt  }
0x62: {  	_ =	shalt  }
0x63: {  	_ =	shalt  }
0x64: {  	_ =	shalt  }
0x65: {  	_ =	shalt  }
0x66: {  	_ =	shalt  }
0x67: {  	_ =	shalt  }
0x68: {  	_ =	shalt  }
0x69: {  	_ =	shalt  }
0x6a: {  	_ =	shalt  }
0x6b: {  	_ =	shalt  }
0x6c: {  	_ =	shalt  }
0x6d: {  	_ =	shalt  }
0x6e: {  	_ =	shalt  }
0x6f: {  	_ =	shalt  }
0x70: {  	_ =	shalt  }
0x71: {  	_ =	shalt  }
0x72: {  	_ =	shalt  }
0x73: {  	_ =	shalt  }
0x74: {  	_ =	shalt  }
0x75: {  	_ =	shalt  }
0x76: {  	_ =	shalt  }
0x77: {  	_ =	shalt  }
0x78: {  	_ =	shalt  }
0x79: {  	_ =	shalt  }
0x7a: {  	_ =	shalt  }
0x7b: {  	_ =	shalt  }
0x7c: {  	_ =	shalt  }
0x7d: {  	_ =	shalt  }
0x7e: {  	_ =	shalt  }
0x7f: {  	_ =	shalt  }
0x80: {  	_ =	shalt  }
0x81: {  	_ =	shalt  }
0x82: {  	_ =	shalt  }
0x83: {  	_ =	shalt  }
0x84: {  	_ =	shalt  }
0x85: {  	_ =	shalt  }
0x86: {  	_ =	shalt  }
0x87: {  	_ =	shalt  }
.Lfunc_end0:
.L_simem_size_0:
called_computation_lowered:
.L_overlay_start_0:
0x88: {  	s2 =	sld [smem:$0x3FD9]  }
0x89: {  	s3 =	sld [smem:$0x3FFE];
	_ =	sdelay $0x1  }
0x8a: {  	s1 =	srdreg.scid  }
0x8b: {  	s0 =	sand.u32 $0x1, s1  }
0x8c: {  	s29 =	sshll.u32 s0, $0xA;
	s2 =	sadd.s32 s3, s2  }
0x8d: {  	s2 =	sadd.s32 s2, s29  }
0x8e: {  	[smem:$0x3FBD] =	sst s2  }
0x8f: {  	_ = 	snop  }
0x90: {  	s5 =	sld [smem:$0x3FC9]  }
0x91: {  	s6 =	sld [smem:$0x3FC8]  }
0x92: {  	s2 =	sld [smem:$0x3FC7]  }
0x93: {  	s30 =	sld [smem:$0x3FC6]  }
0x94: {  	s7 =	sld [smem:$0x3FC5]  }
0x95: {  	s4 =	sld [smem:$0x3FC4]  }
0x96: {  	s8 =	sld [smem:$0x3FC3]  }
0x97: {  	s9 =	sld [smem:$0x3FC2]  }
0x98: {  	s10 =	sld [smem:$0x3FD0]  }
0x99: {  	s11 =	sld [smem:$0x3FC1]  }
0x9a: {  	s12 =	sld [smem:$0x3FC0]  }
0x9b: {  	s14 =	simm.s32 $0xA;
	s15 =	simm.s32 $0x10;
	s13 =	sld [smem:$0x3FBF]  }
0x9c: {  	[smem:s15], [sflag:s14] =	dma.local [hbm:s10], $0x1  }
0x9d: {  	_ =	swait.eq [sflag:s14], $0x1  }
0x9e: {  	[sflag:s14] =	ssyncset.done $0x0  }
0x9f: {  	[sflag:s14] =	ssyncadd.s32 $0xFFFFFFFF  }
0xa0: {  	s31 =	sld [smem:$0x11];
	(tm) =	ssettm $0x1  }
0xa1: {  	s18 =	sld [smem:$0x3FFB];
	_ =	sdelay $0x3  }
0xa2: {  	_ =	strace s18  }
0xa3: {  	s14 =	sld [smem:$0x3FFC];
	_ =	sdelay $0x3  }
0xa4: {  	_ =	strace s14  }
0xa5: {  	s14 =	sld [smem:$0x3FFD];
	_ =	sdelay $0x3  }
0xa6: {  	_ =	strace s14  }
0xa7: {  	_ =	strace $0x8FFFFFFF  }
0xa8: {  	s19 =	sld [smem:$0x3FDB];
	_ =	sdelay $0x1  }
0xa9: {  	s20 =	simm.s32 $_scs_section_size  }
0xaa: {  	s16 =	simm.s32 $_size__tile_overlayer_lowered;
	s17 =	simm.s32 $_tile_overlayer_lowered  }
0xab: {  	s23 =	simm.s32 $0x1BFF;
	s22 =	sshll.u32 s17, $0x1;
	s14 =	sadd.s32 s20, s19  }
0xac: {  	s21 =	sshll.u32 s16, $0x1;
	s18 =	simm.s32 $0x0;
	s16 =	sadd.s32 s22, s14  }
0xad: {  	[timem:s18], [sflag:s23] =	dma.local [hbm:s16], s21  }
0xae: {  	_ =	swait.ge [sflag:s23], s21  }
0xaf: {  	s15 =	ssub.s32 $0x0, s21;
	[sflag:s23] =	ssyncset.done $0x0  }
0xb0: {  	[sflag:s23] =	ssyncadd.s32 s15;
	_ =	sdelay $0x1  }
0xb1: {  	s24 =	simm.s32 $0x1B8B  }
0xb2: {  	_ =	swait.ge [sflag:s24], $0x1  }
0xb3: {  	[sflag:s24] =	ssyncset.done $0x0  }
0xb4: {  	s25 =	simm.s32 $0x1B8E;
	[sflag:s24] =	ssyncadd.s32 $0xFFFFFFFF  }
0xb5: {  	s26 =	simm.s32 $execute0_lowered;
	[smem:$0x3FD2] =	sst s25  }
0xb6: {  	s15 =	sshll.u32 s26, $0x1;
	_ =	strace $0x80000046;
	[dreg:$0x1] =	wrdreg $0xFFFFFFFF  }
0xb7: {  	s28 =	simm.s32 $_size_execute0_lowered;
	s14 =	sadd.s32 s14, s15;
	[dreg:$0x0] =	wrdreg $0x0  }
0xb8: {  	s15 =	sshll.u32 s28, $0x1;
	[dreg:$0x2] =	wrdreg s14  }
0xb9: {  	[dreg:$0x3] =	wrdreg s15  }
0xba: {  	[dreg:$0x4] =	wrdreg $0xC0  }
0xbb: {  	_ =	task [dreg:s18], $0x5FFFF  }
0xbc: {  	[dreg:$0x1] =	wrdreg $0xFFFFFFFF  }
0xbd: {  	[dreg:$0x0] =	wrdreg $0x60  }
0xbe: {  	[dreg:$0x2] =	wrdreg s5  }
0xbf: {  	[dreg:$0x3] =	wrdreg s6  }
0xc0: {  	[dreg:$0x4] =	wrdreg s9  }
0xc1: {  	[dreg:$0x5] =	wrdreg s11  }
0xc2: {  	[dreg:$0x6] =	wrdreg s7  }
0xc3: {  	[dreg:$0x7] =	wrdreg s8  }
0xc4: {  	[dreg:$0x8] =	wrdreg s2  }
0xc5: {  	[dreg:$0x9] =	wrdreg s30  }
0xc6: {  	[dreg:$0xa] =	wrdreg s4  }
0xc7: {  	[dreg:$0xb] =	wrdreg s12  }
0xc8: {  	[dreg:$0xc] =	wrdreg s13  }
0xc9: {  	[dreg:$0xd] =	wrdreg s31  }
0xca: {  	[dreg:$0xe] =	wrdreg $0x9  }
0xcb: {  	_ =	task.clear_ibuf [dreg:s18], $0xFFFFF;
	_ =	strace $0x90000046  }
0xcc: {  	s29 =	simm.s32 $0x9;
	_ =	strace $0x80000048  }
0xcd: {  	_ =	swait.ge [sflag:s29], $0x1  }
0xce: {  	[sflag:s29] =	ssyncadd.s32 $0xFFFFFFFF  }
0xcf: {  	_ =	strace $0x90000048  }
0xd0: {  	_ =	sfence  }
0xd1: {  	s30 =	sld [smem:$0x0];
	_ =	sdelay $0x2  }
0xd2: {  	s31 =	sshll.u32 s1, $0xD;
	s1 =	sshrl.u32 s1, $0x2  }
0xd3: {  	s3 =	sand.u32 $0x4000, s31;
	s1 =	sadd.s32 s1, s30  }
0xd4: {  	s0 =	sor.u32 s3, s0;
	s1 =	sshll.u32 s1, $0x11  }
0xd5: {  	s0 =	sor.u32 s1, s0  }
0xd6: {  	s0 =	sadd.s32 $0x8F2B, s0  }
0xd7: {  	[sflag:s0] =	ssyncadd.remote.s32 $0x1  }
0xd8: {  	_ =	sfence.sel $0xFFFF  }
0xd9: {  	[dreg:$0x0] =	wrdreg $0xFFFFFFFF;
	(pc) =	sbr.abs _section_cstart, $3  }
0xda: {  	[dreg:$0x1] =	wrdreg $0xFFFFFFFF  }
0xdb: {  	_ =	task.clear_ibuf [dreg:s18], $0x2FFFF;
	_ =	strace $0x9FFFFFFF  }
0xdc: {  	(tm) =	ssettm $0x7FFFFFFF  }
0xdd: {  	_ =	shalt  }
tec
execute0_lowered:
.L_overlay_start_1:
0x0: {  	(tag) =	ssettag $0x1  }
0x1: {  	s0 =	rddreg [dreg:$0x0]  }
0x2: {  	s1 =	rddreg [dreg:$0x1]  }
0x3: {  	s2 =	rddreg [dreg:$0x2]  }
0x4: {  	s3 =	rddreg [dreg:$0x3]  }
0x5: {  	s9 =	rddreg [dreg:$0x4]  }
0x6: {  	s10 =	rddreg [dreg:$0x5]  }
0x7: {  	s11 =	rddreg [dreg:$0x6]  }
0x8: {  	s12 =	rddreg [dreg:$0x7]  }
0x9: {  	s13 =	rddreg [dreg:$0x8]  }
0xa: {  	s14 =	rddreg [dreg:$0xb]  }
0xb: {  	s4 =	simm.s32 $0x0;
	s5 =	srdreg.scid;
	s7 =	stileid.u32  }
0xc: {  	s17 =	simm.s32 $0x600;
	s19 =	simm.s32 $0xA00;
	s20 =	simm.s32 $0xC00  }
0xd: {  	s21 =	simm.s32 $0xE00;
	s22 =	simm.s32 $0x1000;
	s23 =	simm.s32 $0x1  }
0xe: {  	s24 =	simm.s32 $0x1200;
	s25 =	simm.s32 $0x1800;
	s26 =	simm.s32 $0x1E00  }
0xf: {  	s28 =	simm.s32 $0x2;
	s29 =	simm.s32 $0x2400;
	s30 =	simm.s32 $0x3  }
0x10: {  	s31 =	simm.s32 $0x0;
	[smem:$0x7FF] =	sst s4;
	s5 =	sand.u32 $0x1, s5  }
0x11: {  	s7 =	sshll.u32 s7, $0x7;
	s6 =	ssub.s32 $0x2, s5;
	s5 =	sshll.u32 s5, $0x6  }
0x12: {  	_ =	strace $0x80000047;
	s8 =	sshrl.u32 s6, $0x1;
	s15 =	sor.u32 s5, s7  }
0x13: {  	s16 =	ssub.s32 s6, s8;
	s5 =	sadd.s32 s0, s15;
	s6 =	sadd.s32 s1, s15  }
0x14: {  	s7 =	sadd.s32 s2, s15;
	s8 =	sadd.s32 s3, s15;
	s9 =	sadd.s32 s9, s15  }
0x15: {  	s10 =	sadd.s32 s10, s15;
	s11 =	sadd.s32 s11, s15;
	s12 =	sadd.s32 s12, s15  }
0x16: {  	s13 =	sadd.s32 s13, s15;
	s14 =	sadd.s32 s14, s15;
	s15 =	smax.u32 s16, $0x1  }
.LBB2_1:
0x17: {  	[tilespmem:s4], [sflag:$0x1] =	stream.linear.gather [hbm4b:s5+s4], $0x200, $0x38;
	[tilespmem:$0x2600] =	vst v63  }
0x18: {  	s0 =	simm.s32 $0x200  }
0x19: {  	[tilespmem:s0], [sflag:$0x1] =	stream.linear.gather [hbm4b:s6+s4], $0x200, $0x38;
	[tilespmem:$0x2600] =	vst v63  }
0x1a: {  	s1 =	simm.s32 $0x400  }
0x1b: {  	[tilespmem:s1], [sflag:$0x1] =	stream.linear.gather [hbm4b:s7+s4], $0x200, $0x38;
	[tilespmem:$0x2600] =	vst v63  }
0x1c: {  	_ = 	snop  }
0x1d: {  	[tilespmem:s17], [sflag:$0x1] =	stream.linear.gather [hbm4b:s8+s4], $0x200, $0x38;
	[tilespmem:$0x2600] =	vst v63  }
0x1e: {  	s2 =	simm.s32 $0x800  }
0x1f: {  	[tilespmem:s2], [sflag:$0x1] =	stream.linear.gather [hbm4b:s9+s4], $0x200, $0x38;
	[tilespmem:$0x2600] =	vst v63  }
0x20: {  	_ = 	snop  }
0x21: {  	[tilespmem:s19], [sflag:$0x1] =	stream.linear.gather [hbm4b:s10+s4], $0x200, $0x38;
	[tilespmem:$0x2600] =	vst v63  }
0x22: {  	_ = 	snop  }
0x23: {  	[tilespmem:s20], [sflag:$0x1] =	stream.linear.gather [hbm4b:s11+s4], $0x200, $0x38;
	[tilespmem:$0x2600] =	vst v63  }
0x24: {  	_ = 	snop  }
0x25: {  	[tilespmem:s21], [sflag:$0x1] =	stream.linear.gather [hbm4b:s12+s4], $0x200, $0x38;
	[tilespmem:$0x2600] =	vst v63  }
0x26: {  	_ = 	snop  }
0x27: {  	[tilespmem:s22], [sflag:$0x1] =	stream.linear.gather [hbm4b:s13+s4], $0x200, $0x38;
	[tilespmem:$0x2600] =	vst v63  }
0x28: {  	_ =	swait.ge [sflag:s23], $0x200  }
0x29: {  	[sflag:s23] =	ssyncset.done $0x0  }
0x2a: {  	[sflag:s23] =	ssyncadd.s32 $0xFFFFFE00  }
0x2b: {  	_ =	swait.ge [sflag:s23], $0x200  }
0x2c: {  	[sflag:s23] =	ssyncset.done $0x0  }
0x2d: {  	[sflag:s23] =	ssyncadd.s32 $0xFFFFFE00  }
0x2e: {  	v0 =	vld [tilespmem:s4+$0x0]  }
0x2f: {  	v1 =	vld [tilespmem:s0+$0x0];
	_ =	sdelay $0x4  }
0x30: {  	s3 =	simm.s32 $0x10;
	v2 =	vshll.u32 v0, $0x3;
	v3 =	vshll.u32 v1, $0xB;
	v4 =	vand.u32 $0x7F, v0  }
0x31: {  	v5 =	vld [tilespmem:s3+$0x0];
	v6 =	vshll.u32 v1, $0x7;
	v7 =	vshll.u32 v1, $0x9;
	v8 =	vshll.u32 v1, $0x5  }
0x32: {  	s16 =	simm.s32 $0x210;
	v1 =	vshll.u32 v1, $0x3;
	v2 =	vand.u32 $0xFFFFFC00, v2;
	v3 =	vand.u32 $0xFFFFC000, v3  }
0x33: {  	v0 =	vld [tilespmem:s16+$0x0];
	v9 =	vand.u32 $0x380, v6;
	v7 =	vand.u32 $0xFFFFC000, v7;
	v8 =	vand.u32 $0x380, v8  }
0x34: {  	v6 =	vand.u32 $0xFFFFC000, v6;
	v1 =	vand.u32 $0x380, v1;
	v3 =	vor.u32 v9, v3  }
0x35: {  	v7 =	vor.u32 v8, v7;
	v2 =	vor.u32 v4, v2;
	v1 =	vor.u32 v1, v6  }
0x36: {  	s18 =	simm.s32 $0x0;
	v4 =	vshll.u32 v5, $0x3;
	v6 =	vadd.s32 v2, v3;
	v7 =	vadd.s32 v2, v7  }
0x37: {  	s18 =	sand.u32 $0x1F0, s18;
	s1 =	simm.s32 $0x1200;
	s2 =	simm.s32 $0x10;
	[tilespmem:s24+$0x0] =	vst v6;
	v6 =	vadd.s32 $0x90000, v7;
	v7 =	vadd.s32 v2, v1;
	v1 =	vand.u32 $0xFFFFFC00, v4  }
0x38: {  	s3 =	simm.s32 $0x220;
	s0 =	simm.s32 $0x10;
	s16 =	simm.s32 $0x20;
	v2 =	vand.u32 $0x7F, v5;
	v3 =	vshll.u32 v0, $0xB;
	[tilespmem:s18+$0x1400] =	vst v6;
	v4 =	vadd.s32 $0x120000, v7  }
.LBB2_2:
0x39: {  	s2 =	sadd.s32 $0x10, s2;
	v5 =	vld [tilespmem:s16+$0x0];
	v6 =	vshll.u32 v0, $0x7;
	v7 =	vshll.u32 v0, $0x9;
	v8 =	vshll.u32 v0, $0x5;
	[tilespmem:s18+$0x1600] =	vst v4;
	s1 =	sadd.s32 $0x10, s1  }
0x3a: {  	v3 =	vand.u32 $0xFFFFC000, v3;
	v4 =	vld [tilespmem:s3+$0x0];
	p0 =	slt.u32 s2, $0x1F0;
	v9 =	vand.u32 $0x380, v6;
	v7 =	vand.u32 $0xFFFFC000, v7  }
0x3b: {  	v0 =	vshll.u32 v0, $0x3;
	v8 =	vand.u32 $0x380, v8;
	v3 =	vor.u32 v9, v3  }
.Ltmp0:
0x3c: {  	v6 =	vand.u32 $0xFFFFC000, v6;
	v0 =	vand.u32 $0x380, v0;
	v7 =	vor.u32 v8, v7;
	(pc) =	sbr.rel @p0 .LBB2_2-.Ltmp0, $4  }
0x3d: {  	v1 =	vor.u32 v2, v1;
	v8 =	vor.u32 v0, v6  }
0x3e: {  	v6 =	vadd.s32 v1, v3;
	v7 =	vadd.s32 v1, v7;
	v2 =	vshll.u32 v5, $0x3  }
0x3f: {  	s18 =	sand.u32 $0x1F0, s0;
	s0 =	smov.u32 s2;
	v3 =	vshll.u32 v4, $0xB;
	[tilespmem:s1+$0x0] =	vst v6;
	v6 =	vadd.s32 $0x90000, v7;
	v7 =	vadd.s32 v1, v8;
	v0 =	vmovc v4  }
0x40: {  	s16 =	sadd.s32 $0x10, s16;
	s3 =	sadd.s32 $0x10, s3;
	v1 =	vand.u32 $0xFFFFFC00, v2;
	v2 =	vand.u32 $0x7F, v5;
	[tilespmem:s18+$0x1400] =	vst v6;
	v4 =	vadd.s32 $0x120000, v7  }
0x41: {  	v5 =	vshll.u32 v0, $0x7  }
0x42: {  	v6 =	vshll.u32 v0, $0x9;
	v7 =	vshll.u32 v0, $0x5;
	v3 =	vand.u32 $0xFFFFC000, v3  }
0x43: {  	v0 =	vshll.u32 v0, $0x3;
	v1 =	vor.u32 v2, v1;
	v8 =	vand.u32 $0x380, v5  }
0x44: {  	v6 =	vand.u32 $0xFFFFC000, v6;
	v7 =	vand.u32 $0x380, v7;
	v5 =	vand.u32 $0xFFFFC000, v5  }
0x45: {  	v0 =	vand.u32 $0x380, v0;
	v3 =	vor.u32 v8, v3;
	v6 =	vor.u32 v7, v6  }
0x46: {  	[tilespmem:s18+$0x1600] =	vst v4;
	s1 =	sadd.s32 $0x10, s1;
	v0 =	vor.u32 v0, v5;
	v2 =	vadd.s32 v1, v3;
	v3 =	vadd.s32 v1, v6  }
0x47: {  	s0 =	sand.u32 $0x1F0, s0;
	v0 =	vadd.s32 v1, v0;
	[tilespmem:s1+$0x0] =	vst v2;
	v2 =	vadd.s32 $0x90000, v3  }
0x48: {  	v0 =	vadd.s32 $0x120000, v0;
	[tilespmem:s0+$0x1400] =	vst v2  }
0x49: {  	s16 =	rddreg [dreg:$0x9];
	[tilespmem:s0+$0x1600] =	vst v0  }
0x4a: {  	[tilespmem:s25], [sflag:$0x2] =	stream.indirect.gather [hbm4b:s16+s17], $0x1, s24, s17, $0xb8;
	[tilespmem:$0x2600] =	vst v63  }
0x4b: {  	s18 =	rddreg [dreg:$0xa]  }
0x4c: {  	[tilespmem:s26], [sflag:$0x2] =	stream.indirect.gather [hbm4b:s18+s17], $0x1, s24, s17, $0xb8;
	[tilespmem:$0x2600] =	vst v63  }
0x4d: {  	_ =	swait.ge [sflag:s23], $0x200  }
0x4e: {  	[sflag:s23] =	ssyncset.done $0x0  }
0x4f: {  	[sflag:s23] =	ssyncadd.s32 $0xFFFFFE00  }
0x50: {  	_ =	swait.ge [sflag:s23], $0x200  }
0x51: {  	[sflag:s23] =	ssyncset.done $0x0  }
0x52: {  	[sflag:s23] =	ssyncadd.s32 $0xFFFFFE00  }
0x53: {  	_ =	swait.ge [sflag:s23], $0x200  }
0x54: {  	[sflag:s23] =	ssyncset.done $0x0  }
0x55: {  	[sflag:s23] =	ssyncadd.s32 $0xFFFFFE00  }
0x56: {  	_ =	swait.ge [sflag:s23], $0x200  }
0x57: {  	[sflag:s23] =	ssyncset.done $0x0  }
0x58: {  	[sflag:s23] =	ssyncadd.s32 $0xFFFFFE00  }
0x59: {  	_ =	swait.ge [sflag:s23], $0x200  }
0x5a: {  	[sflag:s23] =	ssyncset.done $0x0  }
0x5b: {  	[sflag:s23] =	ssyncadd.s32 $0xFFFFFE00  }
0x5c: {  	_ =	swait.ge [sflag:s23], $0x200  }
0x5d: {  	[sflag:s23] =	ssyncset.done $0x0  }
0x5e: {  	[sflag:s23] =	ssyncadd.s32 $0xFFFFFE00  }
0x5f: {  	_ =	swait.ge [sflag:s23], $0x200  }
0x60: {  	[sflag:s23] =	ssyncset.done $0x0  }
0x61: {  	[sflag:s23] =	ssyncadd.s32 $0xFFFFFE00  }
0x62: {  	_ =	swait.ge [sflag:s28], $0x600  }
0x63: {  	[sflag:s28] =	ssyncset.done $0x0  }
0x64: {  	[sflag:s28] =	ssyncadd.s32 $0xFFFFFA00  }
0x65: {  	_ =	swait.ge [sflag:s28], $0x600  }
0x66: {  	[sflag:s28] =	ssyncset.done $0x0  }
0x67: {  	s0 =	simm.s32 $0x0;
	[sflag:s28] =	ssyncadd.s32 $0xFFFFFA00  }
0x68: {  	v2 =	vld [tilespmem:s0+$0x200]  }
0x69: {  	v1 =	vld [tilespmem:s0+$0x400]  }
0x6a: {  	v4 =	vld [tilespmem:s0+$0x1800]  }
0x6b: {  	v5 =	vld [tilespmem:s0+$0x0]  }
0x6c: {  	v6 =	vld [tilespmem:s0+$0x1E00]  }
0x6d: {  	v0 =	vld [tilespmem:s0+$0x800]  }
0x6e: {  	v3 =	vld [tilespmem:s0+$0xE00]  }
0x6f: {  	v8 =	vld [tilespmem:s0+$0x600];
	v7 =	vmul.f32 $3.000000000e+00, v4  }
0x70: {  	v4 =	vld [tilespmem:s0+$0xC00]  }
0x71: {  	vm1 =	vgt.s32 v1, $0x0;
	v9 =	vadd.f32 v7, v6  }
0x72: {  	v13 =	vld [tilespmem:s0+$0xA00];
	vm0 =	vgt.s32 v5, v1;
	vm4 =	vlt.s32 v0, $0x0;
	v6 =	vsub.f32 v6, v7  }
0x73: {  	v11 =	vld [tilespmem:s0+$0x1A00];
	vm3 =	vgt.s32 v0, $0x0;
	vm2 =	veq.s32 v5, v1;
	v9 =	vsel vm4, v9, v3  }
0x74: {  	v5 =	vshra.s32 v8, $0x2;
	v7 =	vshra.s32 v2, $0x2;
	v6 =	vsel vm3, v6, v9  }
0x75: {  	vm5 =	vgt.s32 v7, v5;
	v7 =	vld [tilespmem:s0+$0x1000];
	vm6 =	vgt.f32 v6, v4;
	vm7 =	vlt.f32 v6, v4  }
0x76: {  	vm5 =	vmand vm2, vm5;
	vm6 =	vmand vm3, vm6;
	vm4 =	vmand vm4, vm7  }
0x77: {  	v10 =	vld [tilespmem:s0+$0x2000];
	vm5 =	vmor vm0, vm5;
	vm7 =	veq.s32 v13, $0x0;
	vm4 =	vmor vm6, vm4  }
0x78: {  	v11 =	vmul.f32 $3.000000000e+00, v11;
	vm1 =	vmand vm1, vm5;
	vm4 =	vmand vm7, vm4  }
0x79: {  	v2 =	vshra.s32 v2, $0x4;
	v9 =	vshra.s32 v8, $0x4;
	vm5 =	vmand vm1, vm4  }
0x7a: {  	s3 =	simm.s32 $0x0;
	s1 =	simm.s32 $0x40;
	v8 =	vld [tilespmem:s0+$0x1C00];
	v12 =	vand.u32 $0x7FFFFFFF, v7;
	vm1 =	vne.s32 v0, $0x0;
	v5 =	vsel vm5, $0x1, v13  }
.LBB2_4:
0x7b: {  	vm6 =	vgt.u32 v12, $0x7F800000  }
0x7c: {  	s2 =	sshra.s32 s1, $0x2;
	vm7 =	veq.s32 v5, $0x1;
	v12 =	vsub.f32 v10, v11;
	vm4 =	vmmov vm3  }
0x7d: {  	v10 =	vadd.f32 v11, v10;
	v13 =	vld [tilespmem:s2+$0xA00];
	vm3 =	vmand vm1, vm6;
	v14 =	vnsel vm7, $0x0, v0  }
0x7e: {  	v11 =	vld [tilespmem:s2+$0x200];
	v7 =	vsel vm3, v4, v7;
	v4 =	vsel vm5, v6, v3;
	vm3 =	vlt.s32 v14, $0x0  }
0x7f: {  	vm5 =	vgt.s32 v14, $0x0;
	v3 =	vld [tilespmem:s2+$0x400];
	v6 =	vsel vm3, v10, v4;
	v10 =	vsub.f32 v7, v4  }
0x80: {  	vm3 =	vgt.s32 v2, v9;
	v14 =	vld [tilespmem:s2+$0x0];
	v6 =	vsel vm5, v12, v6;
	v8 =	vmul.f32 $3.000000000e+00, v8  }
0x81: {  	v9 =	vld [tilespmem:s0+$0x2200];
	v12 =	vsub.f32 v6, v4;
	v15 =	vsub.f32 v4, v6;
	v2 =	vand.u32 $0x7FFFFFFF, v10  }
0x82: {  	vm6 =	vgt.s32 v1, $0x1;
	vm2 =	vmand vm2, vm3;
	v16 =	vld [tilespmem:s2+$0x600];
	v10 =	vmul.f32 $1.000000010e-01, v2  }
0x83: {  	vm0 =	vmor vm0, vm2;
	v17 =	vld [tilespmem:s2+$0x800];
	v2 =	vshra.s32 v11, $0x4;
	v15 =	vsel vm4, v12, v15  }
0x84: {  	s3 =	sadd.s32 $0x10, s3;
	vm2 =	vmand vm6, vm0;
	v12 =	vld [tilespmem:s2+$0x1800];
	vm5 =	vgt.s32 v3, $0x0;
	vm3 =	vgt.f32 v15, v10;
	v1 =	vmovc v3  }
0x85: {  	p0 =	slt.u32 s3, $0x1F0;
	vm6 =	veq.s32 v13, $0x0;
	vm0 =	vgt.s32 v14, v1;
	vm3 =	vmand vm2, vm3  }
0x86: {  	v10 =	vshra.s32 v11, $0x2;
	vm2 =	veq.s32 v14, v1;
	vm3 =	vmand vm1, vm3  }
0x87: {  	v11 =	vld [tilespmem:s2+$0x1E00];
	v14 =	vshra.s32 v16, $0x2;
	vm9 =	vmand vm7, vm3;
	vm7 =	veq.s32 v5, $0x2  }
0x88: {  	vm3 =	vgt.s32 v17, $0x0;
	vm8 =	vlt.s32 v17, $0x0;
	vm7 =	vmor vm7, vm9  }
0x89: {  	v15 =	vadd.f32 v8, v9;
	v3 =	vld [tilespmem:s2+$0xE00];
	v5 =	vmul.f32 $3.000000000e+00, v12;
	v12 =	vnsel vm7, $0x0, v0;
	v0 =	vmovc v17  }
0x8a: {  	v17 =	vsel vm9, v6, v4;
	v6 =	vsub.f32 v9, v8;
	vm9 =	vlt.s32 v12, $0x0  }
0x8b: {  	vm10 =	vgt.s32 v12, $0x0;
	v7 =	vsub.f32 v7, v17;
	v4 =	vld [tilespmem:s2+$0xC00];
	v8 =	vsel vm9, v15, v17  }
0x8c: {  	v9 =	vsub.f32 v11, v5;
	v5 =	vadd.f32 v5, v11;
	v8 =	vsel vm10, v6, v8  }
0x8d: {  	v6 =	vand.u32 $0x7FFFFFFF, v7;
	v11 =	vsub.f32 v8, v17;
	v12 =	vsub.f32 v17, v8  }
0x8e: {  	vm9 =	vgt.s32 v10, v14;
	v10 =	vmul.f32 $1.000000010e-01, v6;
	v5 =	vsel vm8, v5, v3  }
0x8f: {  	vm9 =	vmand vm2, vm9;
	v14 =	vld [tilespmem:s2+$0x1A00];
	v6 =	vsel vm3, v9, v5;
	v5 =	vsel vm4, v11, v12  }
0x90: {  	v7 =	vld [tilespmem:s2+$0x1000];
	vm4 =	vgt.f32 v6, v4;
	vm10 =	vlt.f32 v6, v4;
	vm11 =	vgt.f32 v5, v10  }
.Ltmp1:
0x91: {  	v10 =	vld [tilespmem:s2+$0x2000];
	vm4 =	vmand vm3, vm4;
	vm8 =	vmand vm8, vm10;
	vm1 =	vmand vm1, vm11;
	(pc) =	sbr.rel @p0 .LBB2_4-.Ltmp1, $4  }
0x92: {  	vm9 =	vmor vm0, vm9;
	vm4 =	vmor vm4, vm8;
	vm1 =	vmand vm7, vm1  }
0x93: {  	vm5 =	vmand vm5, vm9;
	vm4 =	vmand vm6, vm4;
	v5 =	vsel vm1, v8, v17  }
0x94: {  	v9 =	vshra.s32 v16, $0x4;
	vm5 =	vmand vm5, vm4;
	v11 =	vmul.f32 $3.000000000e+00, v14;
	[tilespmem:s0+$0x2400] =	vst v5;
	s0 =	smov.u32 s2  }
0x95: {  	s1 =	sadd.s32 $0x40, s1;
	vm1 =	vne.s32 v0, $0x0;
	v8 =	vld [tilespmem:s0+$0x1C00];
	v12 =	vand.u32 $0x7FFFFFFF, v7;
	v5 =	vsel vm5, $0x1, v13  }
0x96: {  	vm4 =	vgt.u32 v12, $0x7F800000;
	vm6 =	veq.s32 v5, $0x1;
	v52 =	vsub.f32 v10, v11  }
0x97: {  	v53 =	vadd.f32 v11, v10;
	vm4 =	vmand vm1, vm4;
	v13 =	vnsel vm6, $0x0, v0  }
0x98: {  	v3 =	vsel vm5, v6, v3;
	v4 =	vsel vm4, v4, v7;
	vm15 =	vlt.s32 v13, $0x0  }
0x99: {  	vm8 =	vgt.s32 v13, $0x0;
	v6 =	vsel vm15, v53, v3;
	v7 =	vsub.f32 v4, v3  }
0x9a: {  	vm9 =	vgt.s32 v2, v9;
	v6 =	vsel vm8, v52, v6  }
0x9b: {  	v54 =	vsub.f32 v6, v3;
	v55 =	vsub.f32 v3, v6;
	v7 =	vand.u32 $0x7FFFFFFF, v7  }
0x9c: {  	vm3 =	vmmov vm3;
	vm2 =	vmand vm2, vm9;
	v7 =	vmul.f32 $1.000000010e-01, v7  }
0x9d: {  	vm10 =	vgt.s32 v1, $0x1;
	vm0 =	vmor vm0, vm2;
	v56 =	vsel vm3, v54, v55  }
0x9e: {  	v57 =	vld [tilespmem:s0+$0x2200];
	vm0 =	vmand vm10, vm0;
	vm11 =	vgt.f32 v56, v7  }
0x9f: {  	vm0 =	vmand vm0, vm11  }
0xa0: {  	vm0 =	vmand vm1, vm0  }
0xa1: {  	vm12 =	veq.s32 v5, $0x2;
	v58 =	vmul.f32 $3.000000000e+00, v8;
	vm0 =	vmand vm6, vm0  }
0xa2: {  	vm2 =	vmor vm12, vm0  }
0xa3: {  	v60 =	vadd.f32 v58, v57;
	v59 =	vnsel vm2, $0x0, v0  }
0xa4: {  	v1 =	vsub.f32 v57, v58;
	v3 =	vsel vm0, v6, v3;
	vm13 =	vlt.s32 v59, $0x0  }
0xa5: {  	v62 =	vsub.f32 v4, v3;
	vm14 =	vgt.s32 v59, $0x0;
	v61 =	vsel vm13, v60, v3  }
0xa6: {  	v0 =	vsel vm14, v1, v61  }
0xa7: {  	v2 =	vand.u32 $0x7FFFFFFF, v62;
	v1 =	vsub.f32 v0, v3;
	v63 =	vsub.f32 v3, v0  }
0xa8: {  	v2 =	vmul.f32 $1.000000010e-01, v2  }
0xa9: {  	v1 =	vsel vm3, v1, v63  }
0xaa: {  	vm15 =	vgt.f32 v1, v2  }
0xab: {  	vm0 =	vmand vm1, vm15  }
0xac: {  	s31 =	sadd.s32 $0x1, s31;
	vm0 =	vmand vm2, vm0  }
0xad: {  	p0 =	sne.s32 s31, s15;
	v0 =	vsel vm0, v0, v3  }
.Ltmp2:
0xae: {  	[tilespmem:s0+$0x2400] =	vst v0;
	(pc) =	sbr.rel @p0 .LBB2_1-.Ltmp2, $4  }
0xaf: {  	[hbm4b:s14+s4] =	stream.linear.scatter [tilespmem:s29], [sflag:$0x3], $0x200, $0x38;
	[tilespmem:$0x2600] =	vst v63  }
0xb0: {  	_ =	swait.ge [sflag:s30], $0x200  }
0xb1: {  	[sflag:s30] =	ssyncset.done $0x0  }
0xb2: {  	[sflag:s30] =	ssyncadd.s32 $0xFFFFFE00  }
0xb3: {  	_ =	sfence.sel $0x180000  }
0xb4: {  	[bflag:$0x0] =	sbarrier.arrive $0xFFFF  }
0xb5: {  	_ =	strace $0x90000047  }
0xb6: {  	s0 =	stileid.u32;
	[bflag:$0x2] =	sbarrier.arrive $0xFFFF  }
0xb7: {  	p0 =	sne.s32 s0, $0x0;
	s0 =	rddreg [dreg:$0xc]  }
0xb8: {  	s0 =	sadd.s32 @!p0 $0x100000, s0  }
0xb9: {  	[sflag:s0] =	ssyncadd.tile.s32 @!p0 $0x1;
	_ =	shalt  }
.Lfunc_end2:
_tile_overlayer_lowered:
.L_overlay_start_2:
0xba: {  	(tag) =	ssettag $0x2  }
0xbb: {  	s0 =	rddreg [dreg:$0x0];
	s2 =	stileid.u32  }
0xbc: {  	s1 =	rddreg [dreg:$0x1];
	p0 =	sne.s32 s2, $0x0  }
0xbd: {  	s3 =	rddreg [dreg:$0x2];
	[bflag:$0x3] =	sbarrier.arrive $0xFFFF;
	s2 =	simm.s32 @!p0 $0x1C03  }
0xbe: {  	[timem:s3], [sflag:s2] =	dma.local @!p0 [hbm:s0], s1  }
0xbf: {  	s0 =	simm.s32 @!p0 $0x3  }
0xc0: {  	_ =	swait.ge @!p0 [sflag:s0], s1  }
0xc1: {  	s1 =	ssub.s32 @!p0 $0x0, s1;
	[sflag:s0] =	ssyncset.done @!p0 $0x0  }
0xc2: {  	[sflag:s0] =	ssyncadd.s32 @!p0 s1  }
0xc3: {  	[bflag:$0x3] =	sbarrier.arrive $0xFFFF  }
0xc4: {  	_ =	shalt  }

</sc_bundles>
